<compile_context>
chip_gen: v7x
topology: tpu7x:2x2x1
jax: 0.10.2.dev20260603
libtpu: 0.0.44.dev20260713+nightly
codegen_flags: <defaults>
</compile_context>

<pallas_src>
import functools

import jax
import jax.numpy as jnp
from jax import lax
from jax.experimental import pallas as pl
from jax.experimental.pallas import tpu as pltpu
from jax.experimental.pallas import tpu_sc as plsc

N = 10000
E = 320000
D = 128

NC = 2
NS = 16
NW = NC * NS
PAD_N = 10112
ROWS_PER_TILE = PAD_N // NS
CHUNK = 128
CH = 80
EPW = CH * CHUNK
PAD_E = NW * EPW

_mesh = plsc.VectorSubcoreMesh(core_axis_name="c", subcore_axis_name="s")


@functools.partial(
    pl.kernel,
    out_type=jax.ShapeDtypeStruct((NC, PAD_N, D), jnp.float32),
    mesh=_mesh,
    scratch_types=[
        pltpu.VMEM((CH, CHUNK), jnp.int32),
        pltpu.VMEM((CH, CHUNK), jnp.int32),
        pltpu.VMEM((CHUNK, D), jnp.float32),
        pltpu.VMEM_SHARED((PAD_N, D), jnp.float32),
    ],
)
def _sc_agg(y_hbm, rows_hbm, cols_hbm, zagg_hbm, out_hbm,
            rowidx_v, colidx_v, gbuf_v, acc_sh):
    c = lax.axis_index("c")
    s = lax.axis_index("s")
    wid = c * NS + s
    pltpu.sync_copy(zagg_hbm, acc_sh.at[pl.ds(s * ROWS_PER_TILE, ROWS_PER_TILE)])
    plsc.subcore_barrier()

    pltpu.sync_copy(rows_hbm.at[pl.ds(wid * CH, CH)], rowidx_v)
    pltpu.sync_copy(cols_hbm.at[pl.ds(wid * CH, CH)], colidx_v)

    def body(j, carry):
        pltpu.sync_copy(y_hbm.at[rowidx_v.at[j]], gbuf_v)
        pltpu.sync_copy(gbuf_v, acc_sh.at[colidx_v.at[j]], add=True)
        return carry

    lax.fori_loop(0, CH, body, 0)

    plsc.subcore_barrier()
    sl = pl.ds(s * ROWS_PER_TILE, ROWS_PER_TILE)
    pltpu.sync_copy(acc_sh.at[sl], out_hbm.at[c, sl])


def _dis(degp_ref):
    d = degp_ref[0, :, 0:1] + degp_ref[1, :, 0:1] + 1.0
    return lax.rsqrt(d)


def _tc_prep_body(degp_ref, x_ref, w_ref, y_ref):
    y_ref[...] = _dis(degp_ref) * jnp.dot(
        x_ref[...], w_ref[...], preferred_element_type=jnp.float32)


def _tc_mid_body(degp_ref, y1_ref, aggp_ref, b_ref, w_ref, y2_ref):
    dis = _dis(degp_ref)
    h = jnp.maximum(
        dis * (y1_ref[...] + aggp_ref[0] + aggp_ref[1]) + b_ref[...], 0.0)
    y2_ref[...] = dis * jnp.dot(h, w_ref[...],
                                preferred_element_type=jnp.float32)


def _tc_fin_body(degp_ref, y2_ref, aggp_ref, b_ref, out_ref):
    out_ref[...] = (_dis(degp_ref)
                    * (y2_ref[...] + aggp_ref[0] + aggp_ref[1]) + b_ref[...])


def _tc_call(body, out_shape, *args):
    return pl.pallas_call(
        body, out_shape=jax.ShapeDtypeStruct(out_shape, jnp.float32))(*args)


def kernel(x, edge_index, W1, b1, W2, b2):
    f32 = jnp.float32
    x_pad = jnp.pad(x, ((0, PAD_N - N), (0, 0)))
    rows = jnp.concatenate(
        [edge_index[0], jnp.zeros((PAD_E - E,), jnp.int32)]).reshape(NW * CH, CHUNK)
    cols = jnp.concatenate(
        [edge_index[1], jnp.full((PAD_E - E,), N, jnp.int32)]).reshape(NW * CH, CHUNK)
    ones_tab = jnp.ones((PAD_N, D), f32)
    rows0 = jnp.zeros((NW * CH, CHUNK), jnp.int32)
    zagg = jnp.zeros((ROWS_PER_TILE, D), f32)
    b1r = b1.reshape(1, D)
    b2r = b2.reshape(1, D)

    degp = _sc_agg(ones_tab, rows0, cols, zagg)
    y1 = _tc_call(_tc_prep_body, (PAD_N, D), degp, x_pad, W1)
    agg1 = _sc_agg(y1, rows, cols, zagg)
    y2 = _tc_call(_tc_mid_body, (PAD_N, D), degp, y1, agg1, b1r, W2)
    agg2 = _sc_agg(y2, rows, cols, zagg)
    out = _tc_call(_tc_fin_body, (PAD_N, D), degp, y2, agg2, b2r)
    return (out[:N], 0.0)

# --- scband reference (transcript-rebuilt; emitter-appended) ---
"""Pipeline reference for scband-plain-gcn-21964462752256 (READ-ONLY COPY).

The authoritative reference and input builder live on the scoring server;
editing this copy changes nothing except your own understanding.
"""

import jax, jax.numpy as jnp
import numpy as np

N = 10000
E = 320000
D_IN = 128
D_HID = 128
D_OUT = 128


def gcn_conv(x, edge_index, W, b):
    n = x.shape[0]
    row = edge_index[0]
    col = edge_index[1]
    loop = jnp.arange(n, dtype=row.dtype)
    row = jnp.concatenate([row, loop])
    col = jnp.concatenate([col, loop])
    ones = jnp.ones(row.shape[0], dtype=x.dtype)
    deg = jax.ops.segment_sum(ones, col, num_segments=n)
    deg_inv_sqrt = jnp.where(deg > 0, jax.lax.rsqrt(jnp.maximum(deg, 1e-12)), 0.0)
    norm = deg_inv_sqrt[row] * deg_inv_sqrt[col]
    xw = x @ W
    msg = xw[row] * norm[:, None]
    out = jax.ops.segment_sum(msg, col, num_segments=n)
    return out + b


def setup_inputs(seed: int = 0) -> dict:
    key = jax.random.key(seed)
    k1, k2, k3, k4, k5, k6 = jax.random.split(key, 6)
    x = jax.random.normal(k1, (N, D_IN), dtype=jnp.float32)
    edge_index = jax.random.randint(k2, (2, E), 0, N, dtype=jnp.int32)
    W1 = jax.random.normal(k3, (D_IN, D_HID), dtype=jnp.float32) * (1.0 / np.sqrt(D_IN))
    b1 = jnp.zeros((D_HID,), dtype=jnp.float32)
    W2 = jax.random.normal(k4, (D_HID, D_OUT), dtype=jnp.float32) * (1.0 / np.sqrt(D_HID))
    b2 = jnp.zeros((D_OUT,), dtype=jnp.float32)
    return {"x": x, "edge_index": edge_index, "W1": W1, "b1": b1, "W2": W2, "b2": b2}


def reference(x, edge_index, W1, b1, W2, b2):
    # PlainGCN.forward (eval mode: dropout is identity)
    h = jax.nn.relu(gcn_conv(x, edge_index, W1, b1))
    out = gcn_conv(h, edge_index, W2, b2)
    return (out, 0.0)

if __name__ == "__main__":
    import jax
    _d = setup_inputs()
    print(jax.jit(kernel)(*tuple(_d.values())))

</pallas_src>

<mosaic_0001>
#map = affine_map<(d0, d1) -> (0, 0)>
#map1 = affine_map<(d0, d1) -> (0, 0, 0)>
module attributes {stable_mosaic.version = 14 : i64} {
  func.func @_sc_agg(%arg0: i32, %arg1: i32, %arg2: memref<10112x128xf32, #tpu.memory_space<hbm>>, %arg3: memref<2560x128xi32, #tpu.memory_space<hbm>>, %arg4: memref<2560x128xi32, #tpu.memory_space<hbm>>, %arg5: memref<632x128xf32, #tpu.memory_space<hbm>>, %arg6: memref<2x10112x128xf32, #tpu.memory_space<hbm>>, %arg7: memref<80x128xi32, #tpu.memory_space<vmem>>, %arg8: memref<80x128xi32, #tpu.memory_space<vmem>>, %arg9: memref<128x128xf32, #tpu.memory_space<vmem>>, %arg10: memref<10112x128xf32, #tpu.memory_space<vmem_shared>>) attributes {dimension_semantics = [#tpu.dimension_semantics<core_parallel>, #tpu.dimension_semantics<subcore_parallel>], iteration_bounds = array<i64: 2, 16>, scalar_prefetch = 0 : i64, scratch_operands = 4 : i64, tpu.core_type = #tpu.core_type<sc_vector_subcore>, window_params = [{transform_indices = #map}, {transform_indices = #map}, {transform_indices = #map}, {transform_indices = #map}, {transform_indices = #map1}]} {
    %mul3A = arith.constant 16 : i32
    %mul3A_0 = arith.muli %arg0, %mul3A : i32
    %add3A = arith.addi %mul3A_0, %arg1 : i32
    %mul3A_1 = arith.constant 632 : i32
    %mul3A_2 = arith.muli %arg1, %mul3A_1 : i32
    "tpu.region"() ({
      %run_scoped3A = tpu.sem_alloc : memref<!tpu.dma_semaphore, #tpu.memory_space<semaphore_mem>>
      %dma_start3A = arith.constant 0 : i32
      %dma_start3A_15 = tpu.memref_slice %arg10[%mul3A_2, %dma_start3A] : memref<10112x128xf32, #tpu.memory_space<vmem_shared>> -> memref<632x128xf32, #tpu.memory_space<vmem_shared>>
      tpu.enqueue_dma source(%arg5 : memref<632x128xf32, #tpu.memory_space<hbm>>) target(%dma_start3A_15 : memref<632x128xf32, #tpu.memory_space<vmem_shared>>) target_semaphore(%run_scoped3A : memref<!tpu.dma_semaphore, #tpu.memory_space<semaphore_mem>>)
      %dma_wait3A = arith.constant 0 : i32
      %dma_wait3A_16 = tpu.memref_slice %arg10[%mul3A_2, %dma_wait3A] : memref<10112x128xf32, #tpu.memory_space<vmem_shared>> -> memref<632x128xf32, #tpu.memory_space<vmem_shared>>
      tpu.wait_dma2 semaphore(%run_scoped3A : memref<!tpu.dma_semaphore, #tpu.memory_space<semaphore_mem>>) src(%arg5 : memref<632x128xf32, #tpu.memory_space<hbm>>) dst(%dma_wait3A_16 : memref<632x128xf32, #tpu.memory_space<vmem_shared>>)
      tpu.yield
    }) : () -> ()
    %barrier3A = arith.constant 0 : index
    tpu.barrier barrier_id(%barrier3A)
    %mul3A_3 = arith.constant 80 : i32
    %mul3A_4 = arith.muli %add3A, %mul3A_3 : i32
    "tpu.region"() ({
      %run_scoped3A = tpu.sem_alloc : memref<!tpu.dma_semaphore, #tpu.memory_space<semaphore_mem>>
      %dma_start3A = arith.constant 0 : i32
      %dma_start3A_15 = tpu.memref_slice %arg3[%mul3A_4, %dma_start3A] : memref<2560x128xi32, #tpu.memory_space<hbm>> -> memref<80x128xi32, #tpu.memory_space<hbm>>
      %dma_start3A_16 = arith.constant 0 : i32
      %dma_start3A_17 = tpu.memref_slice %arg3[%mul3A_4, %dma_start3A_16] : memref<2560x128xi32, #tpu.memory_space<hbm>> -> memref<80x128xi32, #tpu.memory_space<hbm>>
      tpu.enqueue_dma source(%dma_start3A_17 : memref<80x128xi32, #tpu.memory_space<hbm>>) target(%arg7 : memref<80x128xi32, #tpu.memory_space<vmem>>) target_semaphore(%run_scoped3A : memref<!tpu.dma_semaphore, #tpu.memory_space<semaphore_mem>>)
      %dma_wait3A = arith.constant 0 : i32
      %dma_wait3A_18 = tpu.memref_slice %arg3[%mul3A_4, %dma_wait3A] : memref<2560x128xi32, #tpu.memory_space<hbm>> -> memref<80x128xi32, #tpu.memory_space<hbm>>
      %dma_wait3A_19 = arith.constant 0 : i32
      %dma_wait3A_20 = tpu.memref_slice %arg3[%mul3A_4, %dma_wait3A_19] : memref<2560x128xi32, #tpu.memory_space<hbm>> -> memref<80x128xi32, #tpu.memory_space<hbm>>
      tpu.wait_dma2 semaphore(%run_scoped3A : memref<!tpu.dma_semaphore, #tpu.memory_space<semaphore_mem>>) src(%dma_wait3A_20 : memref<80x128xi32, #tpu.memory_space<hbm>>) dst(%arg7 : memref<80x128xi32, #tpu.memory_space<vmem>>)
      tpu.yield
    }) : () -> ()
    %mul3A_5 = arith.constant 80 : i32
    %mul3A_6 = arith.muli %add3A, %mul3A_5 : i32
    "tpu.region"() ({
      %run_scoped3A = tpu.sem_alloc : memref<!tpu.dma_semaphore, #tpu.memory_space<semaphore_mem>>
      %dma_start3A = arith.constant 0 : i32
      %dma_start3A_15 = tpu.memref_slice %arg4[%mul3A_6, %dma_start3A] : memref<2560x128xi32, #tpu.memory_space<hbm>> -> memref<80x128xi32, #tpu.memory_space<hbm>>
      %dma_start3A_16 = arith.constant 0 : i32
      %dma_start3A_17 = tpu.memref_slice %arg4[%mul3A_6, %dma_start3A_16] : memref<2560x128xi32, #tpu.memory_space<hbm>> -> memref<80x128xi32, #tpu.memory_space<hbm>>
      tpu.enqueue_dma source(%dma_start3A_17 : memref<80x128xi32, #tpu.memory_space<hbm>>) target(%arg8 : memref<80x128xi32, #tpu.memory_space<vmem>>) target_semaphore(%run_scoped3A : memref<!tpu.dma_semaphore, #tpu.memory_space<semaphore_mem>>)
      %dma_wait3A = arith.constant 0 : i32
      %dma_wait3A_18 = tpu.memref_slice %arg4[%mul3A_6, %dma_wait3A] : memref<2560x128xi32, #tpu.memory_space<hbm>> -> memref<80x128xi32, #tpu.memory_space<hbm>>
      %dma_wait3A_19 = arith.constant 0 : i32
      %dma_wait3A_20 = tpu.memref_slice %arg4[%mul3A_6, %dma_wait3A_19] : memref<2560x128xi32, #tpu.memory_space<hbm>> -> memref<80x128xi32, #tpu.memory_space<hbm>>
      tpu.wait_dma2 semaphore(%run_scoped3A : memref<!tpu.dma_semaphore, #tpu.memory_space<semaphore_mem>>) src(%dma_wait3A_20 : memref<80x128xi32, #tpu.memory_space<hbm>>) dst(%arg8 : memref<80x128xi32, #tpu.memory_space<vmem>>)
      tpu.yield
    }) : () -> ()
    %scan3A = arith.constant 0 : i32
    %scan3A_7 = arith.constant 0 : i32
    %scan3A_8 = arith.constant 80 : i32
    %scan3A_9 = arith.addi %scan3A_7, %scan3A_8 : i32
    %scan3A_10 = arith.constant 1 : i32
    scf.for %scan3A_15 = %scan3A_7 to %scan3A_9 step %scan3A_10  : i32 {
      "tpu.region"() ({
        %run_scoped3A = tpu.sem_alloc : memref<!tpu.dma_semaphore, #tpu.memory_space<semaphore_mem>>
        %dma_start3A = arith.constant 0 : i32
        %dma_start3A_16 = tpu.memref_slice %arg7[%scan3A_15, %dma_start3A] : memref<80x128xi32, #tpu.memory_space<vmem>> -> memref<1x128xi32, #tpu.memory_space<vmem>>
        %dma_start3A_17 = tpu.memref_squeeze %dma_start3A_16 : memref<1x128xi32, #tpu.memory_space<vmem>> -> memref<128xi32, #tpu.memory_space<vmem>>
        %dma_start3A_18 = arith.constant 0 : i32
        %dma_start3A_19 = arith.constant 0 : i32
        %dma_start3A_20 = tpu.memref_slice %arg2[%dma_start3A_18, %dma_start3A_19] : memref<10112x128xf32, #tpu.memory_space<hbm>> -> memref<10112x128xf32, #tpu.memory_space<hbm>>
        tpu.enqueue_indirect_dma source(%dma_start3A_20 : memref<10112x128xf32, #tpu.memory_space<hbm>>) target(%arg9 : memref<128x128xf32, #tpu.memory_space<vmem>>) offsets(%dma_start3A_17 : memref<128xi32, #tpu.memory_space<vmem>>) semaphore(%run_scoped3A : memref<!tpu.dma_semaphore, #tpu.memory_space<semaphore_mem>>)
        %dma_wait3A = arith.constant 0 : i32
        %dma_wait3A_21 = tpu.memref_slice %arg7[%scan3A_15, %dma_wait3A] : memref<80x128xi32, #tpu.memory_space<vmem>> -> memref<1x128xi32, #tpu.memory_space<vmem>>
        %dma_wait3A_22 = tpu.memref_squeeze %dma_wait3A_21 : memref<1x128xi32, #tpu.memory_space<vmem>> -> memref<128xi32, #tpu.memory_space<vmem>>
        %dma_wait3A_23 = arith.constant 0 : i32
        %dma_wait3A_24 = arith.constant 0 : i32
        %dma_wait3A_25 = tpu.memref_slice %arg2[%dma_wait3A_23, %dma_wait3A_24] : memref<10112x128xf32, #tpu.memory_space<hbm>> -> memref<10112x128xf32, #tpu.memory_space<hbm>>
        tpu.wait_indirect_dma semaphore(%run_scoped3A : memref<!tpu.dma_semaphore, #tpu.memory_space<semaphore_mem>>) src(%dma_wait3A_25 : memref<10112x128xf32, #tpu.memory_space<hbm>>) dst(%arg9 : memref<128x128xf32, #tpu.memory_space<vmem>>)
        tpu.yield
      }) : () -> ()
      "tpu.region"() ({
        %run_scoped3A = tpu.sem_alloc : memref<!tpu.dma_semaphore, #tpu.memory_space<semaphore_mem>>
        %dma_start3A = arith.constant 0 : i32
        %dma_start3A_16 = tpu.memref_slice %arg8[%scan3A_15, %dma_start3A] : memref<80x128xi32, #tpu.memory_space<vmem>> -> memref<1x128xi32, #tpu.memory_space<vmem>>
        %dma_start3A_17 = tpu.memref_squeeze %dma_start3A_16 : memref<1x128xi32, #tpu.memory_space<vmem>> -> memref<128xi32, #tpu.memory_space<vmem>>
        %dma_start3A_18 = arith.constant 0 : i32
        %dma_start3A_19 = arith.constant 0 : i32
        %dma_start3A_20 = tpu.memref_slice %arg10[%dma_start3A_18, %dma_start3A_19] : memref<10112x128xf32, #tpu.memory_space<vmem_shared>> -> memref<10112x128xf32, #tpu.memory_space<vmem_shared>>
        tpu.enqueue_indirect_dma source(%arg9 : memref<128x128xf32, #tpu.memory_space<vmem>>) target(%dma_start3A_20 : memref<10112x128xf32, #tpu.memory_space<vmem_shared>>) offsets(%dma_start3A_17 : memref<128xi32, #tpu.memory_space<vmem>>) semaphore(%run_scoped3A : memref<!tpu.dma_semaphore, #tpu.memory_space<semaphore_mem>>) {add = true}
        %dma_wait3A = arith.constant 0 : i32
        %dma_wait3A_21 = tpu.memref_slice %arg8[%scan3A_15, %dma_wait3A] : memref<80x128xi32, #tpu.memory_space<vmem>> -> memref<1x128xi32, #tpu.memory_space<vmem>>
        %dma_wait3A_22 = tpu.memref_squeeze %dma_wait3A_21 : memref<1x128xi32, #tpu.memory_space<vmem>> -> memref<128xi32, #tpu.memory_space<vmem>>
        %dma_wait3A_23 = arith.constant 0 : i32
        %dma_wait3A_24 = arith.constant 0 : i32
        %dma_wait3A_25 = tpu.memref_slice %arg10[%dma_wait3A_23, %dma_wait3A_24] : memref<10112x128xf32, #tpu.memory_space<vmem_shared>> -> memref<10112x128xf32, #tpu.memory_space<vmem_shared>>
        tpu.wait_indirect_dma semaphore(%run_scoped3A : memref<!tpu.dma_semaphore, #tpu.memory_space<semaphore_mem>>) src(%arg9 : memref<128x128xf32, #tpu.memory_space<vmem>>) dst(%dma_wait3A_25 : memref<10112x128xf32, #tpu.memory_space<vmem_shared>>)
        tpu.yield
      }) : () -> ()
    }
    %scan3A_11 = arith.constant 80 : i32
    %barrier3A_12 = arith.constant 0 : index
    tpu.barrier barrier_id(%barrier3A_12)
    %mul3A_13 = arith.constant 632 : i32
    %mul3A_14 = arith.muli %arg1, %mul3A_13 : i32
    "tpu.region"() ({
      %run_scoped3A = tpu.sem_alloc : memref<!tpu.dma_semaphore, #tpu.memory_space<semaphore_mem>>
      %dma_start3A = arith.constant 0 : i32
      %dma_start3A_15 = tpu.memref_slice %arg6[%arg0, %mul3A_14, %dma_start3A] : memref<2x10112x128xf32, #tpu.memory_space<hbm>> -> memref<1x632x128xf32, #tpu.memory_space<hbm>>
      %dma_start3A_16 = tpu.memref_squeeze %dma_start3A_15 : memref<1x632x128xf32, #tpu.memory_space<hbm>> -> memref<632x128xf32, #tpu.memory_space<hbm>>
      %dma_start3A_17 = arith.constant 0 : i32
      %dma_start3A_18 = tpu.memref_slice %arg10[%mul3A_14, %dma_start3A_17] : memref<10112x128xf32, #tpu.memory_space<vmem_shared>> -> memref<632x128xf32, #tpu.memory_space<vmem_shared>>
      tpu.enqueue_dma source(%dma_start3A_18 : memref<632x128xf32, #tpu.memory_space<vmem_shared>>) target(%dma_start3A_16 : memref<632x128xf32, #tpu.memory_space<hbm>>) target_semaphore(%run_scoped3A : memref<!tpu.dma_semaphore, #tpu.memory_space<semaphore_mem>>)
      %dma_wait3A = arith.constant 0 : i32
      %dma_wait3A_19 = tpu.memref_slice %arg6[%arg0, %mul3A_14, %dma_wait3A] : memref<2x10112x128xf32, #tpu.memory_space<hbm>> -> memref<1x632x128xf32, #tpu.memory_space<hbm>>
      %dma_wait3A_20 = tpu.memref_squeeze %dma_wait3A_19 : memref<1x632x128xf32, #tpu.memory_space<hbm>> -> memref<632x128xf32, #tpu.memory_space<hbm>>
      %dma_wait3A_21 = arith.constant 0 : i32
      %dma_wait3A_22 = tpu.memref_slice %arg10[%mul3A_14, %dma_wait3A_21] : memref<10112x128xf32, #tpu.memory_space<vmem_shared>> -> memref<632x128xf32, #tpu.memory_space<vmem_shared>>
      tpu.wait_dma2 semaphore(%run_scoped3A : memref<!tpu.dma_semaphore, #tpu.memory_space<semaphore_mem>>) src(%dma_wait3A_22 : memref<632x128xf32, #tpu.memory_space<vmem_shared>>) dst(%dma_wait3A_20 : memref<632x128xf32, #tpu.memory_space<hbm>>)
      tpu.yield
    }) : () -> ()
    return
  }
}

#map = affine_map<(d0, d1) -> (0, 0)>
#map1 = affine_map<(d0, d1) -> (0, 0, 0)>
module attributes {stable_mosaic.version = 14 : i64} {
  func.func @_sc_agg(%arg0: i32, %arg1: i32, %arg2: memref<10112x128xf32, #tpu.memory_space<hbm>>, %arg3: memref<2560x128xi32, #tpu.memory_space<hbm>>, %arg4: memref<2560x128xi32, #tpu.memory_space<hbm>>, %arg5: memref<632x128xf32, #tpu.memory_space<hbm>>, %arg6: memref<2x10112x128xf32, #tpu.memory_space<hbm>>, %arg7: memref<80x128xi32, #tpu.memory_space<vmem>>, %arg8: memref<80x128xi32, #tpu.memory_space<vmem>>, %arg9: memref<128x128xf32, #tpu.memory_space<vmem>>, %arg10: memref<10112x128xf32, #tpu.memory_space<vmem_shared>>) attributes {dimension_semantics = [#tpu.dimension_semantics<core_parallel>, #tpu.dimension_semantics<subcore_parallel>], iteration_bounds = array<i64: 2, 16>, scalar_prefetch = 0 : i64, scratch_operands = 4 : i64, tpu.core_type = #tpu.core_type<sc_vector_subcore>, window_params = [{transform_indices = #map}, {transform_indices = #map}, {transform_indices = #map}, {transform_indices = #map}, {transform_indices = #map1}]} {
    %mul3A = arith.constant 16 : i32
    %mul3A_0 = arith.muli %arg0, %mul3A : i32
    %add3A = arith.addi %mul3A_0, %arg1 : i32
    %mul3A_1 = arith.constant 632 : i32
    %mul3A_2 = arith.muli %arg1, %mul3A_1 : i32
    "tpu.region"() ({
      %run_scoped3A = tpu.sem_alloc : memref<!tpu.dma_semaphore, #tpu.memory_space<semaphore_mem>>
      %dma_start3A = arith.constant 0 : i32
      %dma_start3A_15 = tpu.memref_slice %arg10[%mul3A_2, %dma_start3A] : memref<10112x128xf32, #tpu.memory_space<vmem_shared>> -> memref<632x128xf32, #tpu.memory_space<vmem_shared>>
      tpu.enqueue_dma source(%arg5 : memref<632x128xf32, #tpu.memory_space<hbm>>) target(%dma_start3A_15 : memref<632x128xf32, #tpu.memory_space<vmem_shared>>) target_semaphore(%run_scoped3A : memref<!tpu.dma_semaphore, #tpu.memory_space<semaphore_mem>>)
      %dma_wait3A = arith.constant 0 : i32
      %dma_wait3A_16 = tpu.memref_slice %arg10[%mul3A_2, %dma_wait3A] : memref<10112x128xf32, #tpu.memory_space<vmem_shared>> -> memref<632x128xf32, #tpu.memory_space<vmem_shared>>
      tpu.wait_dma2 semaphore(%run_scoped3A : memref<!tpu.dma_semaphore, #tpu.memory_space<semaphore_mem>>) src(%arg5 : memref<632x128xf32, #tpu.memory_space<hbm>>) dst(%dma_wait3A_16 : memref<632x128xf32, #tpu.memory_space<vmem_shared>>)
      tpu.yield
    }) : () -> ()
    %barrier3A = arith.constant 0 : index
    tpu.barrier barrier_id(%barrier3A)
    %mul3A_3 = arith.constant 80 : i32
    %mul3A_4 = arith.muli %add3A, %mul3A_3 : i32
    "tpu.region"() ({
      %run_scoped3A = tpu.sem_alloc : memref<!tpu.dma_semaphore, #tpu.memory_space<semaphore_mem>>
      %dma_start3A = arith.constant 0 : i32
      %dma_start3A_15 = tpu.memref_slice %arg3[%mul3A_4, %dma_start3A] : memref<2560x128xi32, #tpu.memory_space<hbm>> -> memref<80x128xi32, #tpu.memory_space<hbm>>
      %dma_start3A_16 = arith.constant 0 : i32
      %dma_start3A_17 = tpu.memref_slice %arg3[%mul3A_4, %dma_start3A_16] : memref<2560x128xi32, #tpu.memory_space<hbm>> -> memref<80x128xi32, #tpu.memory_space<hbm>>
      tpu.enqueue_dma source(%dma_start3A_17 : memref<80x128xi32, #tpu.memory_space<hbm>>) target(%arg7 : memref<80x128xi32, #tpu.memory_space<vmem>>) target_semaphore(%run_scoped3A : memref<!tpu.dma_semaphore, #tpu.memory_space<semaphore_mem>>)
      %dma_wait3A = arith.constant 0 : i32
      %dma_wait3A_18 = tpu.memref_slice %arg3[%mul3A_4, %dma_wait3A] : memref<2560x128xi32, #tpu.memory_space<hbm>> -> memref<80x128xi32, #tpu.memory_space<hbm>>
      %dma_wait3A_19 = arith.constant 0 : i32
      %dma_wait3A_20 = tpu.memref_slice %arg3[%mul3A_4, %dma_wait3A_19] : memref<2560x128xi32, #tpu.memory_space<hbm>> -> memref<80x128xi32, #tpu.memory_space<hbm>>
      tpu.wait_dma2 semaphore(%run_scoped3A : memref<!tpu.dma_semaphore, #tpu.memory_space<semaphore_mem>>) src(%dma_wait3A_20 : memref<80x128xi32, #tpu.memory_space<hbm>>) dst(%arg7 : memref<80x128xi32, #tpu.memory_space<vmem>>)
      tpu.yield
    }) : () -> ()
    %mul3A_5 = arith.constant 80 : i32
    %mul3A_6 = arith.muli %add3A, %mul3A_5 : i32
    "tpu.region"() ({
      %run_scoped3A = tpu.sem_alloc : memref<!tpu.dma_semaphore, #tpu.memory_space<semaphore_mem>>
      %dma_start3A = arith.constant 0 : i32
      %dma_start3A_15 = tpu.memref_slice %arg4[%mul3A_6, %dma_start3A] : memref<2560x128xi32, #tpu.memory_space<hbm>> -> memref<80x128xi32, #tpu.memory_space<hbm>>
      %dma_start3A_16 = arith.constant 0 : i32
      %dma_start3A_17 = tpu.memref_slice %arg4[%mul3A_6, %dma_start3A_16] : memref<2560x128xi32, #tpu.memory_space<hbm>> -> memref<80x128xi32, #tpu.memory_space<hbm>>
      tpu.enqueue_dma source(%dma_start3A_17 : memref<80x128xi32, #tpu.memory_space<hbm>>) target(%arg8 : memref<80x128xi32, #tpu.memory_space<vmem>>) target_semaphore(%run_scoped3A : memref<!tpu.dma_semaphore, #tpu.memory_space<semaphore_mem>>)
      %dma_wait3A = arith.constant 0 : i32
      %dma_wait3A_18 = tpu.memref_slice %arg4[%mul3A_6, %dma_wait3A] : memref<2560x128xi32, #tpu.memory_space<hbm>> -> memref<80x128xi32, #tpu.memory_space<hbm>>
      %dma_wait3A_19 = arith.constant 0 : i32
      %dma_wait3A_20 = tpu.memref_slice %arg4[%mul3A_6, %dma_wait3A_19] : memref<2560x128xi32, #tpu.memory_space<hbm>> -> memref<80x128xi32, #tpu.memory_space<hbm>>
      tpu.wait_dma2 semaphore(%run_scoped3A : memref<!tpu.dma_semaphore, #tpu.memory_space<semaphore_mem>>) src(%dma_wait3A_20 : memref<80x128xi32, #tpu.memory_space<hbm>>) dst(%arg8 : memref<80x128xi32, #tpu.memory_space<vmem>>)
      tpu.yield
    }) : () -> ()
    %scan3A = arith.constant 0 : i32
    %scan3A_7 = arith.constant 0 : i32
    %scan3A_8 = arith.constant 80 : i32
    %scan3A_9 = arith.addi %scan3A_7, %scan3A_8 : i32
    %scan3A_10 = arith.constant 1 : i32
    scf.for %scan3A_15 = %scan3A_7 to %scan3A_9 step %scan3A_10  : i32 {
      "tpu.region"() ({
        %run_scoped3A = tpu.sem_alloc : memref<!tpu.dma_semaphore, #tpu.memory_space<semaphore_mem>>
        %dma_start3A = arith.constant 0 : i32
        %dma_start3A_16 = tpu.memref_slice %arg7[%scan3A_15, %dma_start3A] : memref<80x128xi32, #tpu.memory_space<vmem>> -> memref<1x128xi32, #tpu.memory_space<vmem>>
        %dma_start3A_17 = tpu.memref_squeeze %dma_start3A_16 : memref<1x128xi32, #tpu.memory_space<vmem>> -> memref<128xi32, #tpu.memory_space<vmem>>
        %dma_start3A_18 = arith.constant 0 : i32
        %dma_start3A_19 = arith.constant 0 : i32
        %dma_start3A_20 = tpu.memref_slice %arg2[%dma_start3A_18, %dma_start3A_19] : memref<10112x128xf32, #tpu.memory_space<hbm>> -> memref<10112x128xf32, #tpu.memory_space<hbm>>
        tpu.enqueue_indirect_dma source(%dma_start3A_20 : memref<10112x128xf32, #tpu.memory_space<hbm>>) target(%arg9 : memref<128x128xf32, #tpu.memory_space<vmem>>) offsets(%dma_start3A_17 : memref<128xi32, #tpu.memory_space<vmem>>) semaphore(%run_scoped3A : memref<!tpu.dma_semaphore, #tpu.memory_space<semaphore_mem>>)
        %dma_wait3A = arith.constant 0 : i32
        %dma_wait3A_21 = tpu.memref_slice %arg7[%scan3A_15, %dma_wait3A] : memref<80x128xi32, #tpu.memory_space<vmem>> -> memref<1x128xi32, #tpu.memory_space<vmem>>
        %dma_wait3A_22 = tpu.memref_squeeze %dma_wait3A_21 : memref<1x128xi32, #tpu.memory_space<vmem>> -> memref<128xi32, #tpu.memory_space<vmem>>
        %dma_wait3A_23 = arith.constant 0 : i32
        %dma_wait3A_24 = arith.constant 0 : i32
        %dma_wait3A_25 = tpu.memref_slice %arg2[%dma_wait3A_23, %dma_wait3A_24] : memref<10112x128xf32, #tpu.memory_space<hbm>> -> memref<10112x128xf32, #tpu.memory_space<hbm>>
        tpu.wait_indirect_dma semaphore(%run_scoped3A : memref<!tpu.dma_semaphore, #tpu.memory_space<semaphore_mem>>) src(%dma_wait3A_25 : memref<10112x128xf32, #tpu.memory_space<hbm>>) dst(%arg9 : memref<128x128xf32, #tpu.memory_space<vmem>>)
        tpu.yield
      }) : () -> ()
      "tpu.region"() ({
        %run_scoped3A = tpu.sem_alloc : memref<!tpu.dma_semaphore, #tpu.memory_space<semaphore_mem>>
        %dma_start3A = arith.constant 0 : i32
        %dma_start3A_16 = tpu.memref_slice %arg8[%scan3A_15, %dma_start3A] : memref<80x128xi32, #tpu.memory_space<vmem>> -> memref<1x128xi32, #tpu.memory_space<vmem>>
        %dma_start3A_17 = tpu.memref_squeeze %dma_start3A_16 : memref<1x128xi32, #tpu.memory_space<vmem>> -> memref<128xi32, #tpu.memory_space<vmem>>
        %dma_start3A_18 = arith.constant 0 : i32
        %dma_start3A_19 = arith.constant 0 : i32
        %dma_start3A_20 = tpu.memref_slice %arg10[%dma_start3A_18, %dma_start3A_19] : memref<10112x128xf32, #tpu.memory_space<vmem_shared>> -> memref<10112x128xf32, #tpu.memory_space<vmem_shared>>
        tpu.enqueue_indirect_dma source(%arg9 : memref<128x128xf32, #tpu.memory_space<vmem>>) target(%dma_start3A_20 : memref<10112x128xf32, #tpu.memory_space<vmem_shared>>) offsets(%dma_start3A_17 : memref<128xi32, #tpu.memory_space<vmem>>) semaphore(%run_scoped3A : memref<!tpu.dma_semaphore, #tpu.memory_space<semaphore_mem>>) {add = true}
        %dma_wait3A = arith.constant 0 : i32
        %dma_wait3A_21 = tpu.memref_slice %arg8[%scan3A_15, %dma_wait3A] : memref<80x128xi32, #tpu.memory_space<vmem>> -> memref<1x128xi32, #tpu.memory_space<vmem>>
        %dma_wait3A_22 = tpu.memref_squeeze %dma_wait3A_21 : memref<1x128xi32, #tpu.memory_space<vmem>> -> memref<128xi32, #tpu.memory_space<vmem>>
        %dma_wait3A_23 = arith.constant 0 : i32
        %dma_wait3A_24 = arith.constant 0 : i32
        %dma_wait3A_25 = tpu.memref_slice %arg10[%dma_wait3A_23, %dma_wait3A_24] : memref<10112x128xf32, #tpu.memory_space<vmem_shared>> -> memref<10112x128xf32, #tpu.memory_space<vmem_shared>>
        tpu.wait_indirect_dma semaphore(%run_scoped3A : memref<!tpu.dma_semaphore, #tpu.memory_space<semaphore_mem>>) src(%arg9 : memref<128x128xf32, #tpu.memory_space<vmem>>) dst(%dma_wait3A_25 : memref<10112x128xf32, #tpu.memory_space<vmem_shared>>)
        tpu.yield
      }) : () -> ()
    }
    %scan3A_11 = arith.constant 80 : i32
    %barrier3A_12 = arith.constant 0 : index
    tpu.barrier barrier_id(%barrier3A_12)
    %mul3A_13 = arith.constant 632 : i32
    %mul3A_14 = arith.muli %arg1, %mul3A_13 : i32
    "tpu.region"() ({
      %run_scoped3A = tpu.sem_alloc : memref<!tpu.dma_semaphore, #tpu.memory_space<semaphore_mem>>
      %dma_start3A = arith.constant 0 : i32
      %dma_start3A_15 = tpu.memref_slice %arg6[%arg0, %mul3A_14, %dma_start3A] : memref<2x10112x128xf32, #tpu.memory_space<hbm>> -> memref<1x632x128xf32, #tpu.memory_space<hbm>>
      %dma_start3A_16 = tpu.memref_squeeze %dma_start3A_15 : memref<1x632x128xf32, #tpu.memory_space<hbm>> -> memref<632x128xf32, #tpu.memory_space<hbm>>
      %dma_start3A_17 = arith.constant 0 : i32
      %dma_start3A_18 = tpu.memref_slice %arg10[%mul3A_14, %dma_start3A_17] : memref<10112x128xf32, #tpu.memory_space<vmem_shared>> -> memref<632x128xf32, #tpu.memory_space<vmem_shared>>
      tpu.enqueue_dma source(%dma_start3A_18 : memref<632x128xf32, #tpu.memory_space<vmem_shared>>) target(%dma_start3A_16 : memref<632x128xf32, #tpu.memory_space<hbm>>) target_semaphore(%run_scoped3A : memref<!tpu.dma_semaphore, #tpu.memory_space<semaphore_mem>>)
      %dma_wait3A = arith.constant 0 : i32
      %dma_wait3A_19 = tpu.memref_slice %arg6[%arg0, %mul3A_14, %dma_wait3A] : memref<2x10112x128xf32, #tpu.memory_space<hbm>> -> memref<1x632x128xf32, #tpu.memory_space<hbm>>
      %dma_wait3A_20 = tpu.memref_squeeze %dma_wait3A_19 : memref<1x632x128xf32, #tpu.memory_space<hbm>> -> memref<632x128xf32, #tpu.memory_space<hbm>>
      %dma_wait3A_21 = arith.constant 0 : i32
      %dma_wait3A_22 = tpu.memref_slice %arg10[%mul3A_14, %dma_wait3A_21] : memref<10112x128xf32, #tpu.memory_space<vmem_shared>> -> memref<632x128xf32, #tpu.memory_space<vmem_shared>>
      tpu.wait_dma2 semaphore(%run_scoped3A : memref<!tpu.dma_semaphore, #tpu.memory_space<semaphore_mem>>) src(%dma_wait3A_22 : memref<632x128xf32, #tpu.memory_space<vmem_shared>>) dst(%dma_wait3A_20 : memref<632x128xf32, #tpu.memory_space<hbm>>)
      tpu.yield
    }) : () -> ()
    return
  }
}

#map = affine_map<(d0, d1) -> (0, 0)>
#map1 = affine_map<(d0, d1) -> (0, 0, 0)>
module attributes {stable_mosaic.version = 14 : i64} {
  func.func @_sc_agg(%arg0: i32, %arg1: i32, %arg2: memref<10112x128xf32, #tpu.memory_space<hbm>>, %arg3: memref<2560x128xi32, #tpu.memory_space<hbm>>, %arg4: memref<2560x128xi32, #tpu.memory_space<hbm>>, %arg5: memref<632x128xf32, #tpu.memory_space<hbm>>, %arg6: memref<2x10112x128xf32, #tpu.memory_space<hbm>>, %arg7: memref<80x128xi32, #tpu.memory_space<vmem>>, %arg8: memref<80x128xi32, #tpu.memory_space<vmem>>, %arg9: memref<128x128xf32, #tpu.memory_space<vmem>>, %arg10: memref<10112x128xf32, #tpu.memory_space<vmem_shared>>) attributes {dimension_semantics = [#tpu.dimension_semantics<core_parallel>, #tpu.dimension_semantics<subcore_parallel>], iteration_bounds = array<i64: 2, 16>, scalar_prefetch = 0 : i64, scratch_operands = 4 : i64, tpu.core_type = #tpu.core_type<sc_vector_subcore>, window_params = [{transform_indices = #map}, {transform_indices = #map}, {transform_indices = #map}, {transform_indices = #map}, {transform_indices = #map1}]} {
    %mul3A = arith.constant 16 : i32
    %mul3A_0 = arith.muli %arg0, %mul3A : i32
    %add3A = arith.addi %mul3A_0, %arg1 : i32
    %mul3A_1 = arith.constant 632 : i32
    %mul3A_2 = arith.muli %arg1, %mul3A_1 : i32
    "tpu.region"() ({
      %run_scoped3A = tpu.sem_alloc : memref<!tpu.dma_semaphore, #tpu.memory_space<semaphore_mem>>
      %dma_start3A = arith.constant 0 : i32
      %dma_start3A_15 = tpu.memref_slice %arg10[%mul3A_2, %dma_start3A] : memref<10112x128xf32, #tpu.memory_space<vmem_shared>> -> memref<632x128xf32, #tpu.memory_space<vmem_shared>>
      tpu.enqueue_dma source(%arg5 : memref<632x128xf32, #tpu.memory_space<hbm>>) target(%dma_start3A_15 : memref<632x128xf32, #tpu.memory_space<vmem_shared>>) target_semaphore(%run_scoped3A : memref<!tpu.dma_semaphore, #tpu.memory_space<semaphore_mem>>)
      %dma_wait3A = arith.constant 0 : i32
      %dma_wait3A_16 = tpu.memref_slice %arg10[%mul3A_2, %dma_wait3A] : memref<10112x128xf32, #tpu.memory_space<vmem_shared>> -> memref<632x128xf32, #tpu.memory_space<vmem_shared>>
      tpu.wait_dma2 semaphore(%run_scoped3A : memref<!tpu.dma_semaphore, #tpu.memory_space<semaphore_mem>>) src(%arg5 : memref<632x128xf32, #tpu.memory_space<hbm>>) dst(%dma_wait3A_16 : memref<632x128xf32, #tpu.memory_space<vmem_shared>>)
      tpu.yield
    }) : () -> ()
    %barrier3A = arith.constant 0 : index
    tpu.barrier barrier_id(%barrier3A)
    %mul3A_3 = arith.constant 80 : i32
    %mul3A_4 = arith.muli %add3A, %mul3A_3 : i32
    "tpu.region"() ({
      %run_scoped3A = tpu.sem_alloc : memref<!tpu.dma_semaphore, #tpu.memory_space<semaphore_mem>>
      %dma_start3A = arith.constant 0 : i32
      %dma_start3A_15 = tpu.memref_slice %arg3[%mul3A_4, %dma_start3A] : memref<2560x128xi32, #tpu.memory_space<hbm>> -> memref<80x128xi32, #tpu.memory_space<hbm>>
      %dma_start3A_16 = arith.constant 0 : i32
      %dma_start3A_17 = tpu.memref_slice %arg3[%mul3A_4, %dma_start3A_16] : memref<2560x128xi32, #tpu.memory_space<hbm>> -> memref<80x128xi32, #tpu.memory_space<hbm>>
      tpu.enqueue_dma source(%dma_start3A_17 : memref<80x128xi32, #tpu.memory_space<hbm>>) target(%arg7 : memref<80x128xi32, #tpu.memory_space<vmem>>) target_semaphore(%run_scoped3A : memref<!tpu.dma_semaphore, #tpu.memory_space<semaphore_mem>>)
      %dma_wait3A = arith.constant 0 : i32
      %dma_wait3A_18 = tpu.memref_slice %arg3[%mul3A_4, %dma_wait3A] : memref<2560x128xi32, #tpu.memory_space<hbm>> -> memref<80x128xi32, #tpu.memory_space<hbm>>
      %dma_wait3A_19 = arith.constant 0 : i32
      %dma_wait3A_20 = tpu.memref_slice %arg3[%mul3A_4, %dma_wait3A_19] : memref<2560x128xi32, #tpu.memory_space<hbm>> -> memref<80x128xi32, #tpu.memory_space<hbm>>
      tpu.wait_dma2 semaphore(%run_scoped3A : memref<!tpu.dma_semaphore, #tpu.memory_space<semaphore_mem>>) src(%dma_wait3A_20 : memref<80x128xi32, #tpu.memory_space<hbm>>) dst(%arg7 : memref<80x128xi32, #tpu.memory_space<vmem>>)
      tpu.yield
    }) : () -> ()
    %mul3A_5 = arith.constant 80 : i32
    %mul3A_6 = arith.muli %add3A, %mul3A_5 : i32
    "tpu.region"() ({
      %run_scoped3A = tpu.sem_alloc : memref<!tpu.dma_semaphore, #tpu.memory_space<semaphore_mem>>
      %dma_start3A = arith.constant 0 : i32
      %dma_start3A_15 = tpu.memref_slice %arg4[%mul3A_6, %dma_start3A] : memref<2560x128xi32, #tpu.memory_space<hbm>> -> memref<80x128xi32, #tpu.memory_space<hbm>>
      %dma_start3A_16 = arith.constant 0 : i32
      %dma_start3A_17 = tpu.memref_slice %arg4[%mul3A_6, %dma_start3A_16] : memref<2560x128xi32, #tpu.memory_space<hbm>> -> memref<80x128xi32, #tpu.memory_space<hbm>>
      tpu.enqueue_dma source(%dma_start3A_17 : memref<80x128xi32, #tpu.memory_space<hbm>>) target(%arg8 : memref<80x128xi32, #tpu.memory_space<vmem>>) target_semaphore(%run_scoped3A : memref<!tpu.dma_semaphore, #tpu.memory_space<semaphore_mem>>)
      %dma_wait3A = arith.constant 0 : i32
      %dma_wait3A_18 = tpu.memref_slice %arg4[%mul3A_6, %dma_wait3A] : memref<2560x128xi32, #tpu.memory_space<hbm>> -> memref<80x128xi32, #tpu.memory_space<hbm>>
      %dma_wait3A_19 = arith.constant 0 : i32
      %dma_wait3A_20 = tpu.memref_slice %arg4[%mul3A_6, %dma_wait3A_19] : memref<2560x128xi32, #tpu.memory_space<hbm>> -> memref<80x128xi32, #tpu.memory_space<hbm>>
      tpu.wait_dma2 semaphore(%run_scoped3A : memref<!tpu.dma_semaphore, #tpu.memory_space<semaphore_mem>>) src(%dma_wait3A_20 : memref<80x128xi32, #tpu.memory_space<hbm>>) dst(%arg8 : memref<80x128xi32, #tpu.memory_space<vmem>>)
      tpu.yield
    }) : () -> ()
    %scan3A = arith.constant 0 : i32
    %scan3A_7 = arith.constant 0 : i32
    %scan3A_8 = arith.constant 80 : i32
    %scan3A_9 = arith.addi %scan3A_7, %scan3A_8 : i32
    %scan3A_10 = arith.constant 1 : i32
    scf.for %scan3A_15 = %scan3A_7 to %scan3A_9 step %scan3A_10  : i32 {
      "tpu.region"() ({
        %run_scoped3A = tpu.sem_alloc : memref<!tpu.dma_semaphore, #tpu.memory_space<semaphore_mem>>
        %dma_start3A = arith.constant 0 : i32
        %dma_start3A_16 = tpu.memref_slice %arg7[%scan3A_15, %dma_start3A] : memref<80x128xi32, #tpu.memory_space<vmem>> -> memref<1x128xi32, #tpu.memory_space<vmem>>
        %dma_start3A_17 = tpu.memref_squeeze %dma_start3A_16 : memref<1x128xi32, #tpu.memory_space<vmem>> -> memref<128xi32, #tpu.memory_space<vmem>>
        %dma_start3A_18 = arith.constant 0 : i32
        %dma_start3A_19 = arith.constant 0 : i32
        %dma_start3A_20 = tpu.memref_slice %arg2[%dma_start3A_18, %dma_start3A_19] : memref<10112x128xf32, #tpu.memory_space<hbm>> -> memref<10112x128xf32, #tpu.memory_space<hbm>>
        tpu.enqueue_indirect_dma source(%dma_start3A_20 : memref<10112x128xf32, #tpu.memory_space<hbm>>) target(%arg9 : memref<128x128xf32, #tpu.memory_space<vmem>>) offsets(%dma_start3A_17 : memref<128xi32, #tpu.memory_space<vmem>>) semaphore(%run_scoped3A : memref<!tpu.dma_semaphore, #tpu.memory_space<semaphore_mem>>)
        %dma_wait3A = arith.constant 0 : i32
        %dma_wait3A_21 = tpu.memref_slice %arg7[%scan3A_15, %dma_wait3A] : memref<80x128xi32, #tpu.memory_space<vmem>> -> memref<1x128xi32, #tpu.memory_space<vmem>>
        %dma_wait3A_22 = tpu.memref_squeeze %dma_wait3A_21 : memref<1x128xi32, #tpu.memory_space<vmem>> -> memref<128xi32, #tpu.memory_space<vmem>>
        %dma_wait3A_23 = arith.constant 0 : i32
        %dma_wait3A_24 = arith.constant 0 : i32
        %dma_wait3A_25 = tpu.memref_slice %arg2[%dma_wait3A_23, %dma_wait3A_24] : memref<10112x128xf32, #tpu.memory_space<hbm>> -> memref<10112x128xf32, #tpu.memory_space<hbm>>
        tpu.wait_indirect_dma semaphore(%run_scoped3A : memref<!tpu.dma_semaphore, #tpu.memory_space<semaphore_mem>>) src(%dma_wait3A_25 : memref<10112x128xf32, #tpu.memory_space<hbm>>) dst(%arg9 : memref<128x128xf32, #tpu.memory_space<vmem>>)
        tpu.yield
      }) : () -> ()
      "tpu.region"() ({
        %run_scoped3A = tpu.sem_alloc : memref<!tpu.dma_semaphore, #tpu.memory_space<semaphore_mem>>
        %dma_start3A = arith.constant 0 : i32
        %dma_start3A_16 = tpu.memref_slice %arg8[%scan3A_15, %dma_start3A] : memref<80x128xi32, #tpu.memory_space<vmem>> -> memref<1x128xi32, #tpu.memory_space<vmem>>
        %dma_start3A_17 = tpu.memref_squeeze %dma_start3A_16 : memref<1x128xi32, #tpu.memory_space<vmem>> -> memref<128xi32, #tpu.memory_space<vmem>>
        %dma_start3A_18 = arith.constant 0 : i32
        %dma_start3A_19 = arith.constant 0 : i32
        %dma_start3A_20 = tpu.memref_slice %arg10[%dma_start3A_18, %dma_start3A_19] : memref<10112x128xf32, #tpu.memory_space<vmem_shared>> -> memref<10112x128xf32, #tpu.memory_space<vmem_shared>>
        tpu.enqueue_indirect_dma source(%arg9 : memref<128x128xf32, #tpu.memory_space<vmem>>) target(%dma_start3A_20 : memref<10112x128xf32, #tpu.memory_space<vmem_shared>>) offsets(%dma_start3A_17 : memref<128xi32, #tpu.memory_space<vmem>>) semaphore(%run_scoped3A : memref<!tpu.dma_semaphore, #tpu.memory_space<semaphore_mem>>) {add = true}
        %dma_wait3A = arith.constant 0 : i32
        %dma_wait3A_21 = tpu.memref_slice %arg8[%scan3A_15, %dma_wait3A] : memref<80x128xi32, #tpu.memory_space<vmem>> -> memref<1x128xi32, #tpu.memory_space<vmem>>
        %dma_wait3A_22 = tpu.memref_squeeze %dma_wait3A_21 : memref<1x128xi32, #tpu.memory_space<vmem>> -> memref<128xi32, #tpu.memory_space<vmem>>
        %dma_wait3A_23 = arith.constant 0 : i32
        %dma_wait3A_24 = arith.constant 0 : i32
        %dma_wait3A_25 = tpu.memref_slice %arg10[%dma_wait3A_23, %dma_wait3A_24] : memref<10112x128xf32, #tpu.memory_space<vmem_shared>> -> memref<10112x128xf32, #tpu.memory_space<vmem_shared>>
        tpu.wait_indirect_dma semaphore(%run_scoped3A : memref<!tpu.dma_semaphore, #tpu.memory_space<semaphore_mem>>) src(%arg9 : memref<128x128xf32, #tpu.memory_space<vmem>>) dst(%dma_wait3A_25 : memref<10112x128xf32, #tpu.memory_space<vmem_shared>>)
        tpu.yield
      }) : () -> ()
    }
    %scan3A_11 = arith.constant 80 : i32
    %barrier3A_12 = arith.constant 0 : index
    tpu.barrier barrier_id(%barrier3A_12)
    %mul3A_13 = arith.constant 632 : i32
    %mul3A_14 = arith.muli %arg1, %mul3A_13 : i32
    "tpu.region"() ({
      %run_scoped3A = tpu.sem_alloc : memref<!tpu.dma_semaphore, #tpu.memory_space<semaphore_mem>>
      %dma_start3A = arith.constant 0 : i32
      %dma_start3A_15 = tpu.memref_slice %arg6[%arg0, %mul3A_14, %dma_start3A] : memref<2x10112x128xf32, #tpu.memory_space<hbm>> -> memref<1x632x128xf32, #tpu.memory_space<hbm>>
      %dma_start3A_16 = tpu.memref_squeeze %dma_start3A_15 : memref<1x632x128xf32, #tpu.memory_space<hbm>> -> memref<632x128xf32, #tpu.memory_space<hbm>>
      %dma_start3A_17 = arith.constant 0 : i32
      %dma_start3A_18 = tpu.memref_slice %arg10[%mul3A_14, %dma_start3A_17] : memref<10112x128xf32, #tpu.memory_space<vmem_shared>> -> memref<632x128xf32, #tpu.memory_space<vmem_shared>>
      tpu.enqueue_dma source(%dma_start3A_18 : memref<632x128xf32, #tpu.memory_space<vmem_shared>>) target(%dma_start3A_16 : memref<632x128xf32, #tpu.memory_space<hbm>>) target_semaphore(%run_scoped3A : memref<!tpu.dma_semaphore, #tpu.memory_space<semaphore_mem>>)
      %dma_wait3A = arith.constant 0 : i32
      %dma_wait3A_19 = tpu.memref_slice %arg6[%arg0, %mul3A_14, %dma_wait3A] : memref<2x10112x128xf32, #tpu.memory_space<hbm>> -> memref<1x632x128xf32, #tpu.memory_space<hbm>>
      %dma_wait3A_20 = tpu.memref_squeeze %dma_wait3A_19 : memref<1x632x128xf32, #tpu.memory_space<hbm>> -> memref<632x128xf32, #tpu.memory_space<hbm>>
      %dma_wait3A_21 = arith.constant 0 : i32
      %dma_wait3A_22 = tpu.memref_slice %arg10[%mul3A_14, %dma_wait3A_21] : memref<10112x128xf32, #tpu.memory_space<vmem_shared>> -> memref<632x128xf32, #tpu.memory_space<vmem_shared>>
      tpu.wait_dma2 semaphore(%run_scoped3A : memref<!tpu.dma_semaphore, #tpu.memory_space<semaphore_mem>>) src(%dma_wait3A_22 : memref<632x128xf32, #tpu.memory_space<vmem_shared>>) dst(%dma_wait3A_20 : memref<632x128xf32, #tpu.memory_space<hbm>>)
      tpu.yield
    }) : () -> ()
    return
  }
}

module attributes {stable_mosaic.version = 14 : i64} {
  func.func @_tc_prep_body(%arg0: memref<2x10112x128xf32, #tpu.memory_space<vmem>>, %arg1: memref<10112x128xf32, #tpu.memory_space<vmem>>, %arg2: memref<128x128xf32, #tpu.memory_space<vmem>>, %arg3: memref<10112x128xf32, #tpu.memory_space<vmem>>) attributes {dimension_semantics = [], scalar_prefetch = 0 : i64, scratch_operands = 0 : i64, tpu.core_type = #tpu.core_type<tc>} {
    %get3A = arith.constant 0 : index
    %get3A_0 = arith.constant 0 : index
    %get3A_1 = arith.constant 0 : index
    %get3A_2 = vector.load %arg0[%get3A, %get3A_0, %get3A_1] : memref<2x10112x128xf32, #tpu.memory_space<vmem>>, vector<1x10112x1xf32>
    %get3A_3 = vector.shape_cast %get3A_2 : vector<1x10112x1xf32> to vector<10112x1xf32>
    %get3A_4 = arith.constant 1 : index
    %get3A_5 = arith.constant 0 : index
    %get3A_6 = arith.constant 0 : index
    %get3A_7 = vector.load %arg0[%get3A_4, %get3A_5, %get3A_6] : memref<2x10112x128xf32, #tpu.memory_space<vmem>>, vector<1x10112x1xf32>
    %get3A_8 = vector.shape_cast %get3A_7 : vector<1x10112x1xf32> to vector<10112x1xf32>
    %add3A = arith.addf %get3A_3, %get3A_8 : vector<10112x1xf32>
    %add3A_9 = arith.constant 1.000000e+00 : f32
    %add3A_10 = vector.broadcast %add3A_9 : f32 to vector<10112x1xf32>
    %add3A_11 = arith.addf %add3A, %add3A_10 : vector<10112x1xf32>
    %rsqrt3A = math.rsqrt %add3A_11 : vector<10112x1xf32>
    %get3A_12 = arith.constant 0 : index
    %get3A_13 = arith.constant 0 : index
    %get3A_14 = vector.load %arg1[%get3A_12, %get3A_13] : memref<10112x128xf32, #tpu.memory_space<vmem>>, vector<10112x128xf32>
    %get3A_15 = arith.constant 0 : index
    %get3A_16 = arith.constant 0 : index
    %get3A_17 = vector.load %arg2[%get3A_15, %get3A_16] : memref<128x128xf32, #tpu.memory_space<vmem>>, vector<128x128xf32>
    %dot_general3A = arith.constant dense<0.000000e+00> : vector<10112x128xf32>
    %dot_general3A_18 = tpu.matmul %get3A_14, %get3A_17, %dot_general3A {dimension_numbers = #tpu.dot_dimension_numbers<[1], [0], [0], [1], [0, 0, 1, 1], [], []>, transpose_lhs_hint = false} : vector<10112x128xf32>, vector<128x128xf32>, vector<10112x128xf32> -> vector<10112x128xf32>
    %mul3A = vector.broadcast %rsqrt3A : vector<10112x1xf32> to vector<10112x128xf32>
    %mul3A_19 = arith.mulf %mul3A, %dot_general3A_18 : vector<10112x128xf32>
    %swap3A = arith.constant 0 : index
    %swap3A_20 = arith.constant 0 : index
    %swap3A_21 = vector.load %arg3[%swap3A, %swap3A_20] : memref<10112x128xf32, #tpu.memory_space<vmem>>, vector<10112x128xf32>
    tpu.vector_store %arg3[%swap3A, %swap3A_20], %mul3A_19 {strides = array<i32>} : memref<10112x128xf32, #tpu.memory_space<vmem>>, vector<10112x128xf32>,
    return
  }
}

module attributes {stable_mosaic.version = 14 : i64} {
  func.func @_tc_mid_body(%arg0: memref<2x10112x128xf32, #tpu.memory_space<vmem>>, %arg1: memref<10112x128xf32, #tpu.memory_space<vmem>>, %arg2: memref<2x10112x128xf32, #tpu.memory_space<vmem>>, %arg3: memref<1x128xf32, #tpu.memory_space<vmem>>, %arg4: memref<128x128xf32, #tpu.memory_space<vmem>>, %arg5: memref<10112x128xf32, #tpu.memory_space<vmem>>) attributes {dimension_semantics = [], scalar_prefetch = 0 : i64, scratch_operands = 0 : i64, tpu.core_type = #tpu.core_type<tc>} {
    %get3A = arith.constant 0 : index
    %get3A_0 = arith.constant 0 : index
    %get3A_1 = arith.constant 0 : index
    %get3A_2 = vector.load %arg0[%get3A, %get3A_0, %get3A_1] : memref<2x10112x128xf32, #tpu.memory_space<vmem>>, vector<1x10112x1xf32>
    %get3A_3 = vector.shape_cast %get3A_2 : vector<1x10112x1xf32> to vector<10112x1xf32>
    %get3A_4 = arith.constant 1 : index
    %get3A_5 = arith.constant 0 : index
    %get3A_6 = arith.constant 0 : index
    %get3A_7 = vector.load %arg0[%get3A_4, %get3A_5, %get3A_6] : memref<2x10112x128xf32, #tpu.memory_space<vmem>>, vector<1x10112x1xf32>
    %get3A_8 = vector.shape_cast %get3A_7 : vector<1x10112x1xf32> to vector<10112x1xf32>
    %add3A = arith.addf %get3A_3, %get3A_8 : vector<10112x1xf32>
    %add3A_9 = arith.constant 1.000000e+00 : f32
    %add3A_10 = vector.broadcast %add3A_9 : f32 to vector<10112x1xf32>
    %add3A_11 = arith.addf %add3A, %add3A_10 : vector<10112x1xf32>
    %rsqrt3A = math.rsqrt %add3A_11 : vector<10112x1xf32>
    %get3A_12 = arith.constant 0 : index
    %get3A_13 = arith.constant 0 : index
    %get3A_14 = vector.load %arg1[%get3A_12, %get3A_13] : memref<10112x128xf32, #tpu.memory_space<vmem>>, vector<10112x128xf32>
    %get3A_15 = arith.constant 0 : index
    %get3A_16 = arith.constant 0 : index
    %get3A_17 = arith.constant 0 : index
    %get3A_18 = vector.load %arg2[%get3A_15, %get3A_16, %get3A_17] : memref<2x10112x128xf32, #tpu.memory_space<vmem>>, vector<1x10112x128xf32>
    %get3A_19 = vector.shape_cast %get3A_18 : vector<1x10112x128xf32> to vector<10112x128xf32>
    %add3A_20 = arith.addf %get3A_14, %get3A_19 : vector<10112x128xf32>
    %get3A_21 = arith.constant 1 : index
    %get3A_22 = arith.constant 0 : index
    %get3A_23 = arith.constant 0 : index
    %get3A_24 = vector.load %arg2[%get3A_21, %get3A_22, %get3A_23] : memref<2x10112x128xf32, #tpu.memory_space<vmem>>, vector<1x10112x128xf32>
    %get3A_25 = vector.shape_cast %get3A_24 : vector<1x10112x128xf32> to vector<10112x128xf32>
    %add3A_26 = arith.addf %add3A_20, %get3A_25 : vector<10112x128xf32>
    %mul3A = vector.broadcast %rsqrt3A : vector<10112x1xf32> to vector<10112x128xf32>
    %mul3A_27 = arith.mulf %mul3A, %add3A_26 : vector<10112x128xf32>
    %get3A_28 = arith.constant 0 : index
    %get3A_29 = arith.constant 0 : index
    %get3A_30 = vector.load %arg3[%get3A_28, %get3A_29] : memref<1x128xf32, #tpu.memory_space<vmem>>, vector<1x128xf32>
    %add3A_31 = vector.broadcast %get3A_30 : vector<1x128xf32> to vector<10112x128xf32>
    %add3A_32 = arith.addf %mul3A_27, %add3A_31 : vector<10112x128xf32>
    %max3A = arith.constant 0.000000e+00 : f32
    %max3A_33 = vector.broadcast %max3A : f32 to vector<10112x128xf32>
    %max3A_34 = arith.maximumf %add3A_32, %max3A_33 : vector<10112x128xf32>
    %get3A_35 = arith.constant 0 : index
    %get3A_36 = arith.constant 0 : index
    %get3A_37 = vector.load %arg4[%get3A_35, %get3A_36] : memref<128x128xf32, #tpu.memory_space<vmem>>, vector<128x128xf32>
    %dot_general3A = arith.constant dense<0.000000e+00> : vector<10112x128xf32>
    %dot_general3A_38 = tpu.matmul %max3A_34, %get3A_37, %dot_general3A {dimension_numbers = #tpu.dot_dimension_numbers<[1], [0], [0], [1], [0, 0, 1, 1], [], []>, transpose_lhs_hint = false} : vector<10112x128xf32>, vector<128x128xf32>, vector<10112x128xf32> -> vector<10112x128xf32>
    %mul3A_39 = vector.broadcast %rsqrt3A : vector<10112x1xf32> to vector<10112x128xf32>
    %mul3A_40 = arith.mulf %mul3A_39, %dot_general3A_38 : vector<10112x128xf32>
    %swap3A = arith.constant 0 : index
    %swap3A_41 = arith.constant 0 : index
    %swap3A_42 = vector.load %arg5[%swap3A, %swap3A_41] : memref<10112x128xf32, #tpu.memory_space<vmem>>, vector<10112x128xf32>
    tpu.vector_store %arg5[%swap3A, %swap3A_41], %mul3A_40 {strides = array<i32>} : memref<10112x128xf32, #tpu.memory_space<vmem>>, vector<10112x128xf32>,
    return
  }
}

module attributes {stable_mosaic.version = 14 : i64} {
  func.func @_tc_fin_body(%arg0: memref<2x10112x128xf32, #tpu.memory_space<vmem>>, %arg1: memref<10112x128xf32, #tpu.memory_space<vmem>>, %arg2: memref<2x10112x128xf32, #tpu.memory_space<vmem>>, %arg3: memref<1x128xf32, #tpu.memory_space<vmem>>, %arg4: memref<10112x128xf32, #tpu.memory_space<vmem>>) attributes {dimension_semantics = [], scalar_prefetch = 0 : i64, scratch_operands = 0 : i64, tpu.core_type = #tpu.core_type<tc>} {
    %get3A = arith.constant 0 : index
    %get3A_0 = arith.constant 0 : index
    %get3A_1 = arith.constant 0 : index
    %get3A_2 = vector.load %arg0[%get3A, %get3A_0, %get3A_1] : memref<2x10112x128xf32, #tpu.memory_space<vmem>>, vector<1x10112x1xf32>
    %get3A_3 = vector.shape_cast %get3A_2 : vector<1x10112x1xf32> to vector<10112x1xf32>
    %get3A_4 = arith.constant 1 : index
    %get3A_5 = arith.constant 0 : index
    %get3A_6 = arith.constant 0 : index
    %get3A_7 = vector.load %arg0[%get3A_4, %get3A_5, %get3A_6] : memref<2x10112x128xf32, #tpu.memory_space<vmem>>, vector<1x10112x1xf32>
    %get3A_8 = vector.shape_cast %get3A_7 : vector<1x10112x1xf32> to vector<10112x1xf32>
    %add3A = arith.addf %get3A_3, %get3A_8 : vector<10112x1xf32>
    %add3A_9 = arith.constant 1.000000e+00 : f32
    %add3A_10 = vector.broadcast %add3A_9 : f32 to vector<10112x1xf32>
    %add3A_11 = arith.addf %add3A, %add3A_10 : vector<10112x1xf32>
    %rsqrt3A = math.rsqrt %add3A_11 : vector<10112x1xf32>
    %get3A_12 = arith.constant 0 : index
    %get3A_13 = arith.constant 0 : index
    %get3A_14 = vector.load %arg1[%get3A_12, %get3A_13] : memref<10112x128xf32, #tpu.memory_space<vmem>>, vector<10112x128xf32>
    %get3A_15 = arith.constant 0 : index
    %get3A_16 = arith.constant 0 : index
    %get3A_17 = arith.constant 0 : index
    %get3A_18 = vector.load %arg2[%get3A_15, %get3A_16, %get3A_17] : memref<2x10112x128xf32, #tpu.memory_space<vmem>>, vector<1x10112x128xf32>
    %get3A_19 = vector.shape_cast %get3A_18 : vector<1x10112x128xf32> to vector<10112x128xf32>
    %add3A_20 = arith.addf %get3A_14, %get3A_19 : vector<10112x128xf32>
    %get3A_21 = arith.constant 1 : index
    %get3A_22 = arith.constant 0 : index
    %get3A_23 = arith.constant 0 : index
    %get3A_24 = vector.load %arg2[%get3A_21, %get3A_22, %get3A_23] : memref<2x10112x128xf32, #tpu.memory_space<vmem>>, vector<1x10112x128xf32>
    %get3A_25 = vector.shape_cast %get3A_24 : vector<1x10112x128xf32> to vector<10112x128xf32>
    %add3A_26 = arith.addf %add3A_20, %get3A_25 : vector<10112x128xf32>
    %mul3A = vector.broadcast %rsqrt3A : vector<10112x1xf32> to vector<10112x128xf32>
    %mul3A_27 = arith.mulf %mul3A, %add3A_26 : vector<10112x128xf32>
    %get3A_28 = arith.constant 0 : index
    %get3A_29 = arith.constant 0 : index
    %get3A_30 = vector.load %arg3[%get3A_28, %get3A_29] : memref<1x128xf32, #tpu.memory_space<vmem>>, vector<1x128xf32>
    %add3A_31 = vector.broadcast %get3A_30 : vector<1x128xf32> to vector<10112x128xf32>
    %add3A_32 = arith.addf %mul3A_27, %add3A_31 : vector<10112x128xf32>
    %swap3A = arith.constant 0 : index
    %swap3A_33 = arith.constant 0 : index
    %swap3A_34 = vector.load %arg4[%swap3A, %swap3A_33] : memref<10112x128xf32, #tpu.memory_space<vmem>>, vector<10112x128xf32>
    tpu.vector_store %arg4[%swap3A, %swap3A_33], %add3A_32 {strides = array<i32>} : memref<10112x128xf32, #tpu.memory_space<vmem>>, vector<10112x128xf32>,
    return
  }
}

</mosaic_0001>

<sc_bundles>
// kernel: kernel.11.cloned.1.call-start
scs
__scs_entry_jumppad:
0x0: {  	(pc) =	sbr.rel $0x88, $3  }
0x1: {  	(tag) =	ssettag $0x0;
	lr =	simm.s32 $0x1  }
0x2: {  	[smem:$0x3F9B] =	sst lr;
	_ =	strace $0xD0000000  }
0x3: {  	_ = 	snop  }
0x4: {  	_ = 	snop  }
0x5: {  	_ = 	snop  }
0x6: {  	_ = 	snop  }
0x7: {  	_ = 	snop  }
__scs_overlays_trampoline_lowered:
0x8: {  	[smem:$0x3FAA] =	sst s0  }
0x9: {  	[smem:$0x3FAB] =	sst s1  }
0xa: {  	[smem:$0x3FAC] =	sst s2  }
0xb: {  	[smem:$0x3FAD] =	sst s3  }
0xc: {  	[smem:$0x3FAE] =	sst s4  }
0xd: {  	[smem:$0x3FAF] =	sst s5  }
0xe: {  	[smem:$0x3FB0] =	sst s6  }
0xf: {  	[smem:$0x3FB1] =	sst s7  }
0x10: {  	[smem:$0x3FB2] =	sst s8  }
0x11: {  	[smem:$0x3FB3] =	sst s9;
	s0 =	simm.s32 @!p0 $0x0  }
0x12: {  	s1 =	sld [smem:$0x3F99];
	s0 =	simm.s32 @p0 $0x1  }
0x13: {  	[smem:$0x3FB4] =	sst s0;
	s0 =	simm.s32 @!p1 $0x0  }
0x14: {  	s2 =	sld [smem:$0x3F98];
	s0 =	simm.s32 @p1 $0x1  }
0x15: {  	[smem:$0x3FB5] =	sst s0;
	s0 =	simm.s32 @!p2 $0x0  }
0x16: {  	s3 =	sld [smem:$0x3FDB];
	s0 =	simm.s32 @p2 $0x1  }
0x17: {  	s4 =	simm.s32 $0x1BF5;
	[smem:$0x3FB7] =	sst s0  }
0x18: {  	s0 =	sld [smem:$0x3F9A];
	_ =	swait.ge [sflag:s4], $0x0  }
0x19: {  	s7 =	sld [smem:$0x3F9B]  }
0x1a: {  	s8 =	sadd.s32 $0xFFFFE003, lr  }
0x1b: {  	s9 =	sadd.s32 $0xFFFFFEF7, lr;
	s5 =	simm.s32 $0xFFFFFFFF;
	p2 =	slt.u32 s8, $0xFFFFF086  }
0x1c: {  	p1 =	slt.u32 s9, $0xF7A;
	s5 =	simm.s32 @!p2 $0x0  }
0x1d: {  	s5 =	simm.s32 @p1 $0x1;
	p0 =	seq.s32 s7, s2  }
0x1e: {  	s7 =	smul.u32 @!p0 $0xF7A, s2;
	p2 =	seq.s32 @!p0 s5, $0x0  }
0x1f: {  	s9 =	smul.u32 $0xF7A, s1;
	s8 =	simm.s32 @!p0 $0x1BF5;
	p2 =	por !p2, p0  }
0x20: {  	[sflag:s8] =	ssyncset.s32 @!p0 $0xFFFFF086;
	s6 =	sadd.s32 @!p0 s3, s7;
	s7 =	simm.s32 @!p0 $0x108  }
0x21: {  	s3 =	sadd.s32 s3, s9;
	s6 =	sadd.s32 @!p0 $0x88, s6;
	s7 =	simm.s32 @p2 $0x1082  }
0x22: {  	[simem:s7], [sflag:s8] =	dma.local @!p0 [hbm:s6], $0xF7A  }
0x23: {  	s9 =	sor.u32 $0xD0000000, s2;
	s6 =	simm.s32 $0x108;
	_ =	swait.ge @!p0 [sflag:s8], $0x0  }
0x24: {  	s3 =	sadd.s32 $0x88, s3;
	s6 =	simm.s32 @!p1 $0x1082;
	[sflag:s4] =	ssyncset.s32 $0xFFFFF086  }
0x25: {  	[simem:s6], [sflag:s4] =	dma.local [hbm:s3], $0xF7A  }
0x26: {  	[smem:$0x3F9B] =	sst s1;
	(tag) =	ssettag s2;
	_ =	strace s9  }
0x27: {  	s1 =	sld [smem:$0x3FAB]  }
0x28: {  	s2 =	sld [smem:$0x3FAC]  }
0x29: {  	s4 =	sld [smem:$0x3FAE]  }
0x2a: {  	p0 =	seq.s32 s5, $0x0;
	s5 =	sld [smem:$0x3FAF]  }
0x2b: {  	s6 =	sld [smem:$0x3FB0]  }
0x2c: {  	s7 =	sld [smem:$0x3FB1]  }
0x2d: {  	s3 =	simm.s32 $0x108;
	s8 =	sld [smem:$0x3FB2]  }
0x2e: {  	s3 =	simm.s32 @!p0 $0x1082;
	s9 =	sld [smem:$0x3FB3]  }
0x2f: {  	lr =	sadd.s32 s0, s3;
	s0 =	sld [smem:$0x3FAA]  }
0x30: {  	s3 =	sld [smem:$0x3FAD]  }
0x31: {  	[smem:$0x3FB6] =	sst s10  }
0x32: {  	s10 =	sld [smem:$0x3FB4];
	_ =	sdelay $0x3  }
0x33: {  	p0 =	seq.s32 s10, $0x1;
	s10 =	sld [smem:$0x3FB6];
	_ =	sdelay $0x3  }
0x34: {  	[smem:$0x3FB6] =	sst s10  }
0x35: {  	s10 =	sld [smem:$0x3FB5];
	_ =	sdelay $0x3  }
0x36: {  	p1 =	seq.s32 s10, $0x1;
	s10 =	sld [smem:$0x3FB6];
	_ =	sdelay $0x3  }
0x37: {  	[smem:$0x3FB6] =	sst s10  }
0x38: {  	s10 =	sld [smem:$0x3FB7]  }
0x39: {  	_ = 	snop;
	(pc) =	sbr.ind lr, $3  }
0x3a: {  	_ = 	snop  }
0x3b: {  	_ = 	snop  }
0x3c: {  	p2 =	seq.s32 s10, $0x1;
	s10 =	sld [smem:$0x3FB6]  }
0x3d: {  	_ =	shalt  }
0x3e: {  	_ =	shalt  }
0x3f: {  	_ =	shalt  }
0x40: {  	_ =	shalt  }
0x41: {  	_ =	shalt  }
0x42: {  	_ =	shalt  }
0x43: {  	_ =	shalt  }
0x44: {  	_ =	shalt  }
0x45: {  	_ =	shalt  }
0x46: {  	_ =	shalt  }
0x47: {  	_ =	shalt  }
0x48: {  	_ =	shalt  }
0x49: {  	_ =	shalt  }
0x4a: {  	_ =	shalt  }
0x4b: {  	_ =	shalt  }
0x4c: {  	_ =	shalt  }
0x4d: {  	_ =	shalt  }
0x4e: {  	_ =	shalt  }
0x4f: {  	_ =	shalt  }
0x50: {  	_ =	shalt  }
0x51: {  	_ =	shalt  }
0x52: {  	_ =	shalt  }
0x53: {  	_ =	shalt  }
0x54: {  	_ =	shalt  }
0x55: {  	_ =	shalt  }
0x56: {  	_ =	shalt  }
0x57: {  	_ =	shalt  }
0x58: {  	_ =	shalt  }
0x59: {  	_ =	shalt  }
0x5a: {  	_ =	shalt  }
0x5b: {  	_ =	shalt  }
0x5c: {  	_ =	shalt  }
0x5d: {  	_ =	shalt  }
0x5e: {  	_ =	shalt  }
0x5f: {  	_ =	shalt  }
0x60: {  	_ =	shalt  }
0x61: {  	_ =	shalt  }
0x62: {  	_ =	shalt  }
0x63: {  	_ =	shalt  }
0x64: {  	_ =	shalt  }
0x65: {  	_ =	shalt  }
0x66: {  	_ =	shalt  }
0x67: {  	_ =	shalt  }
0x68: {  	_ =	shalt  }
0x69: {  	_ =	shalt  }
0x6a: {  	_ =	shalt  }
0x6b: {  	_ =	shalt  }
0x6c: {  	_ =	shalt  }
0x6d: {  	_ =	shalt  }
0x6e: {  	_ =	shalt  }
0x6f: {  	_ =	shalt  }
0x70: {  	_ =	shalt  }
0x71: {  	_ =	shalt  }
0x72: {  	_ =	shalt  }
0x73: {  	_ =	shalt  }
0x74: {  	_ =	shalt  }
0x75: {  	_ =	shalt  }
0x76: {  	_ =	shalt  }
0x77: {  	_ =	shalt  }
0x78: {  	_ =	shalt  }
0x79: {  	_ =	shalt  }
0x7a: {  	_ =	shalt  }
0x7b: {  	_ =	shalt  }
0x7c: {  	_ =	shalt  }
0x7d: {  	_ =	shalt  }
0x7e: {  	_ =	shalt  }
0x7f: {  	_ =	shalt  }
0x80: {  	_ =	shalt  }
0x81: {  	_ =	shalt  }
0x82: {  	_ =	shalt  }
0x83: {  	_ =	shalt  }
0x84: {  	_ =	shalt  }
0x85: {  	_ =	shalt  }
0x86: {  	_ =	shalt  }
0x87: {  	_ =	shalt  }
.Lfunc_end0:
.L_simem_size_0:
called_computation.1_lowered:
.L_overlay_start_0:
0x88: {  	s2 =	sld [smem:$0x3FD9]  }
0x89: {  	s3 =	sld [smem:$0x3FFE];
	_ =	sdelay $0x1  }
0x8a: {  	s1 =	srdreg.scid  }
0x8b: {  	s0 =	sand.u32 $0x1, s1  }
0x8c: {  	s16 =	sshll.u32 s0, $0xA;
	s2 =	sadd.s32 s3, s2  }
0x8d: {  	s2 =	sadd.s32 s2, s16  }
0x8e: {  	[smem:$0x3FC2] =	sst s2  }
0x8f: {  	_ = 	snop  }
0x90: {  	(tm) =	ssettm $0x1  }
0x91: {  	s17 =	sld [smem:$0x3FFB];
	_ =	sdelay $0x3  }
0x92: {  	_ =	strace s17  }
0x93: {  	s2 =	sld [smem:$0x3FFC];
	_ =	sdelay $0x3  }
0x94: {  	_ =	strace s2  }
0x95: {  	s2 =	sld [smem:$0x3FFD];
	_ =	sdelay $0x3  }
0x96: {  	_ =	strace s2  }
0x97: {  	_ =	strace $0x8FFFFFFF  }
0x98: {  	s18 =	sld [smem:$0x3FDB];
	_ =	sdelay $0x1  }
0x99: {  	s19 =	simm.s32 $_scs_section_size  }
0x9a: {  	s4 =	simm.s32 $_size__tile_overlayer_lowered;
	s5 =	simm.s32 $_tile_overlayer_lowered  }
0x9b: {  	s22 =	simm.s32 $0x1BFF;
	s21 =	sshll.u32 s5, $0x1;
	s2 =	sadd.s32 s19, s18  }
0x9c: {  	s6 =	simm.s32 $0x0;
	s20 =	sshll.u32 s4, $0x1;
	s4 =	sadd.s32 s21, s2  }
0x9d: {  	[timem:s6], [sflag:s22] =	dma.local [hbm:s4], s20  }
0x9e: {  	_ =	swait.ge [sflag:s22], s20  }
0x9f: {  	s3 =	ssub.s32 $0x0, s20;
	[sflag:s22] =	ssyncset.done $0x0  }
0xa0: {  	[sflag:s22] =	ssyncadd.s32 s3;
	_ =	sdelay $0x1  }
0xa1: {  	s23 =	simm.s32 $0x1B8B  }
0xa2: {  	_ =	swait.ge [sflag:s23], $0x1  }
0xa3: {  	[sflag:s23] =	ssyncset.done $0x0  }
0xa4: {  	s25 =	simm.s32 $0x1B8E;
	s24 =	sld [smem:$0x3FFE];
	[sflag:s23] =	ssyncadd.s32 $0xFFFFFFFF  }
0xa5: {  	s26 =	simm.s32 $execute0_lowered;
	[smem:$0x3FD2] =	sst s25  }
0xa6: {  	s4 =	sshll.u32 s26, $0x1;
	_ =	strace $0x80000049;
	[dreg:$0x1] =	wrdreg $0xFFFFFFFF  }
0xa7: {  	s28 =	simm.s32 $_size_execute0_lowered;
	s2 =	sadd.s32 s2, s4;
	[dreg:$0x0] =	wrdreg $0x0  }
0xa8: {  	s4 =	sshll.u32 s28, $0x1;
	[dreg:$0x2] =	wrdreg s2  }
0xa9: {  	[dreg:$0x3] =	wrdreg s4  }
0xaa: {  	[dreg:$0x4] =	wrdreg $0xC0  }
0xab: {  	_ =	task [dreg:s6], $0x5FFFF  }
0xac: {  	[dreg:$0x1] =	wrdreg $0xFFFFFFFF  }
0xad: {  	[dreg:$0x0] =	wrdreg $0x60  }
0xae: {  	[dreg:$0x2] =	wrdreg s24  }
0xaf: {  	[dreg:$0x3] =	wrdreg $0x90000  }
0xb0: {  	[dreg:$0x4] =	wrdreg $0x9  }
0xb1: {  	_ =	task.clear_ibuf [dreg:s6], $0x5FFFF;
	_ =	strace $0x90000049  }
0xb2: {  	s29 =	simm.s32 $0x9;
	_ =	strace $0x8000004B  }
0xb3: {  	_ =	swait.ge [sflag:s29], $0x1  }
0xb4: {  	[sflag:s29] =	ssyncadd.s32 $0xFFFFFFFF  }
0xb5: {  	_ =	strace $0x9000004B  }
0xb6: {  	_ =	sfence  }
0xb7: {  	s30 =	sld [smem:$0x0];
	_ =	sdelay $0x2  }
0xb8: {  	s31 =	sshll.u32 s1, $0xD;
	s1 =	sshrl.u32 s1, $0x2  }
0xb9: {  	s3 =	sand.u32 $0x4000, s31;
	s1 =	sadd.s32 s1, s30  }
0xba: {  	s0 =	sor.u32 s3, s0;
	s1 =	sshll.u32 s1, $0x11  }
0xbb: {  	s0 =	sor.u32 s1, s0  }
0xbc: {  	s0 =	sadd.s32 $0x8F2B, s0  }
0xbd: {  	[sflag:s0] =	ssyncadd.remote.s32 $0x1  }
0xbe: {  	_ =	sfence.sel $0xFFFF  }
0xbf: {  	[dreg:$0x0] =	wrdreg $0xFFFFFFFF;
	(pc) =	sbr.abs _section_cstart, $3  }
0xc0: {  	[dreg:$0x1] =	wrdreg $0xFFFFFFFF  }
0xc1: {  	_ =	task.clear_ibuf [dreg:s6], $0x2FFFF;
	_ =	strace $0x9FFFFFFF  }
0xc2: {  	(tm) =	ssettm $0x7FFFFFFF  }
0xc3: {  	_ =	shalt  }
tec
execute0_lowered:
.L_overlay_start_1:
0x0: {  	(tag) =	ssettag $0x1  }
0x1: {  	s0 =	srdreg.scid;
	s6 =	rddreg [dreg:$0x0]  }
0x2: {  	s2 =	rddreg [dreg:$0x1];
	s3 =	simm.s32 $0x0;
	s14 =	simm.s32 $0x80  }
0x3: {  	s15 =	simm.s32 $0x5000;
	s5 =	sand.u32 $0x1, s0;
	s0 =	stileid.u32  }
0x4: {  	s16 =	simm.s32 $0x0;
	[smem:$0x7FF] =	sst s3;
	s8 =	smul.u32 $0x13C000, s5  }
0x5: {  	s4 =	sadd.s32 $0x18E00, s6;
	s1 =	sshll.u32 s5, $0x4;
	s9 =	smul.u32 $0x13C00, s0  }
0x6: {  	s26 =	ssub.s32 $0x2, s5;
	s28 =	smul.u32 $0x4F000, s0;
	s5 =	sadd.s32 $0x16600, s6  }
0x7: {  	s31 =	sshll.u32 s0, $0x6;
	s1 =	sor.u32 s0, s1;
	s29 =	sshrl.u32 s26, $0x1  }
0x8: {  	s7 =	smul.u32 $0x500, s1;
	s1 =	rddreg [dreg:$0x2];
	_ =	strace $0x8000004A  }
0x9: {  	s25 =	sadd.s32 s9, s8;
	s12 =	ssub.s32 s26, s29;
	s30 =	sshrl.u32 s28, $0x2  }
0xa: {  	s13 =	sadd.s32 s30, s2;
	s10 =	sadd.s32 s7, s6;
	s7 =	sshrl.u32 s25, $0x3  }
0xb: {  	s11 =	sadd.s32 s7, s6;
	s6 =	sor.u32 $0x1C01, s31;
	s7 =	sadd.s32 $0x2600, s10  }
0xc: {  	s8 =	sadd.s32 $0xC600, s10;
	s10 =	smax.u32 s12, $0x1;
	s12 =	simm.s32 $0x1  }
0xd: {  	s9 =	sadd.s32 $0x40600, s11;
	s11 =	sshrl.u32 s13, $0x3;
	s13 =	simm.s32 $0x2800  }
.LBB2_1:
0xe: {  	[spmem:s11], [sflag:s6] =	dma.local [hbm:s5], $0x2780  }
0xf: {  	_ =	swait.ge [sflag:s12], $0x2780  }
0x10: {  	[sflag:s12] =	ssyncset.done $0x0  }
0x11: {  	[sflag:s12] =	ssyncadd.s32 $0xFFFFD880  }
0x12: {  	[bflag:$0x0] =	sbarrier.arrive $0xFFFF  }
0x13: {  	[tilespmem:s3], [sflag:$0x1] =	stream.linear.gather [hbm4b:s7+s3], $0x2800, $0x38;
	[tilespmem:$0x1CC00] =	vst v63  }
0x14: {  	_ =	swait.ge [sflag:s12], $0x2800  }
0x15: {  	[sflag:s12] =	ssyncset.done $0x0  }
0x16: {  	[sflag:s12] =	ssyncadd.s32 $0xFFFFD800  }
0x17: {  	[tilespmem:s13], [sflag:$0x1] =	stream.linear.gather [hbm4b:s8+s3], $0x2800, $0x38;
	[tilespmem:$0x1CC00] =	vst v63  }
0x18: {  	_ =	swait.ge [sflag:s12], $0x2800  }
0x19: {  	[sflag:s12] =	ssyncset.done $0x0  }
0x1a: {  	s17 =	simm.s32 $0x0;
	[sflag:s12] =	ssyncadd.s32 $0xFFFFD800  }
0x1b: {  	[tilespmem:s15], [sflag:$0x1] =	stream.indirect.gather [hbm4b:s4+s14], $0x80, s17, s14, $0xb8;
	[tilespmem:$0x1CC00] =	vst v63  }
0x1c: {  	_ =	swait.ge [sflag:s12], $0x4000  }
0x1d: {  	[sflag:s12] =	ssyncset.done $0x0  }
0x1e: {  	s31 =	simm.s32 $0x2800;
	[sflag:s12] =	ssyncadd.s32 $0xFFFFC000  }
0x1f: {  	[spmem:s2] =	stream.indirect.scatter.add.f32 [tilespmem:s15], [sflag:$0x1], $0x80, s31, s14, $0xb8;
	[tilespmem:$0x1CC00] =	vst v63  }
0x20: {  	_ =	swait.ge [sflag:s12], $0x4000  }
0x21: {  	s18 =	simm.s32 $0x400;
	s17 =	simm.s32 $0x200;
	[sflag:s12] =	ssyncset.done $0x0  }
.LBB2_2:
0x22: {  	s19 =	sshra.s32 s17, $0x2  }
0x23: {  	[sflag:s12] =	ssyncadd.s32 $0xFFFFC000;
	s17 =	smov.u32 s18;
	s20 =	sadd.s32 $0x200, s18  }
0x24: {  	[tilespmem:s15], [sflag:$0x1] =	stream.indirect.gather [hbm4b:s4+s14], $0x80, s19, s14, $0xb8;
	[tilespmem:$0x1CC00] =	vst v63  }
0x25: {  	p0 =	sne.s32 s18, $0x9E00;
	_ =	swait.ge [sflag:s12], $0x4000  }
.Ltmp0:
0x26: {  	[sflag:s12] =	ssyncset.done $0x0;
	(pc) =	sbr.rel @p0 .LBB2_2-.Ltmp0, $4  }
0x27: {  	s18 =	sadd.s32 $0x2800, s19;
	[sflag:s12] =	ssyncadd.s32 $0xFFFFC000  }
0x28: {  	[spmem:s2] =	stream.indirect.scatter.add.f32 [tilespmem:s15], [sflag:$0x1], $0x80, s18, s14, $0xb8;
	[tilespmem:$0x1CC00] =	vst v63  }
0x29: {  	_ =	swait.ge [sflag:s12], $0x4000  }
0x2a: {  	s18 =	smov.u32 s20;
	[sflag:s12] =	ssyncset.done $0x0  }
0x2b: {  	s17 =	sshra.s32 s17, $0x2;
	[sflag:s12] =	ssyncadd.s32 $0xFFFFC000  }
0x2c: {  	[tilespmem:s15], [sflag:$0x1] =	stream.indirect.gather [hbm4b:s4+s14], $0x80, s17, s14, $0xb8;
	[tilespmem:$0x1CC00] =	vst v63  }
0x2d: {  	_ =	swait.ge [sflag:s12], $0x4000  }
0x2e: {  	[sflag:s12] =	ssyncset.done $0x0  }
0x2f: {  	s17 =	sadd.s32 $0x2800, s17;
	[sflag:s12] =	ssyncadd.s32 $0xFFFFC000  }
0x30: {  	[spmem:s2] =	stream.indirect.scatter.add.f32 [tilespmem:s15], [sflag:$0x1], $0x80, s17, s14, $0xb8;
	[tilespmem:$0x1CC00] =	vst v63  }
0x31: {  	_ =	swait.ge [sflag:s12], $0x4000  }
0x32: {  	s16 =	sadd.s32 $0x1, s16;
	[sflag:s12] =	ssyncset.done $0x0  }
0x33: {  	p0 =	sne.s32 s16, s10;
	[sflag:s12] =	ssyncadd.s32 $0xFFFFC000  }
.Ltmp1:
0x34: {  	[bflag:$0x0] =	sbarrier.arrive $0xFFFF;
	(pc) =	sbr.rel @p0 .LBB2_1-.Ltmp1, $4  }
0x35: {  	[hbm:s9], [sflag:s6] =	dma.local [spmem:s11], $0x2780  }
0x36: {  	_ =	swait.ge [sflag:s12], $0x2780  }
0x37: {  	[sflag:s12] =	ssyncset.done $0x0  }
0x38: {  	[sflag:s12] =	ssyncadd.s32 $0xFFFFD880  }
0x39: {  	_ =	sfence.sel $0x180000  }
0x3a: {  	[bflag:$0x0] =	sbarrier.arrive $0xFFFF  }
0x3b: {  	p0 =	sne.s32 s0, $0x0;
	_ =	strace $0x9000004A  }
0x3c: {  	s0 =	sadd.s32 @!p0 $0x100000, s1;
	[bflag:$0x2] =	sbarrier.arrive $0xFFFF  }
0x3d: {  	[sflag:s0] =	ssyncadd.tile.s32 @!p0 $0x1;
	_ =	shalt  }
.Lfunc_end2:
_tile_overlayer_lowered:
.L_overlay_start_2:
0x3e: {  	(tag) =	ssettag $0x2  }
0x3f: {  	s0 =	rddreg [dreg:$0x0];
	s2 =	stileid.u32  }
0x40: {  	s1 =	rddreg [dreg:$0x1];
	p0 =	sne.s32 s2, $0x0  }
0x41: {  	s3 =	rddreg [dreg:$0x2];
	[bflag:$0x3] =	sbarrier.arrive $0xFFFF;
	s2 =	simm.s32 @!p0 $0x1C01  }
0x42: {  	[timem:s3], [sflag:s2] =	dma.local @!p0 [hbm:s0], s1  }
0x43: {  	s0 =	simm.s32 @!p0 $0x1  }
0x44: {  	_ =	swait.ge @!p0 [sflag:s0], s1  }
0x45: {  	s1 =	ssub.s32 @!p0 $0x0, s1;
	[sflag:s0] =	ssyncset.done @!p0 $0x0  }
0x46: {  	[sflag:s0] =	ssyncadd.s32 @!p0 s1  }
0x47: {  	[bflag:$0x3] =	sbarrier.arrive $0xFFFF  }
0x48: {  	_ =	shalt  }

// kernel: kernel.14.cloned.1.call-start
scs
__scs_entry_jumppad:
0x0: {  	(pc) =	sbr.rel $0x88, $3  }
0x1: {  	(tag) =	ssettag $0x0;
	lr =	simm.s32 $0x1  }
0x2: {  	[smem:$0x3F9B] =	sst lr;
	_ =	strace $0xD0000000  }
0x3: {  	_ = 	snop  }
0x4: {  	_ = 	snop  }
0x5: {  	_ = 	snop  }
0x6: {  	_ = 	snop  }
0x7: {  	_ = 	snop  }
__scs_overlays_trampoline_lowered:
0x8: {  	[smem:$0x3FAA] =	sst s0  }
0x9: {  	[smem:$0x3FAB] =	sst s1  }
0xa: {  	[smem:$0x3FAC] =	sst s2  }
0xb: {  	[smem:$0x3FAD] =	sst s3  }
0xc: {  	[smem:$0x3FAE] =	sst s4  }
0xd: {  	[smem:$0x3FAF] =	sst s5  }
0xe: {  	[smem:$0x3FB0] =	sst s6  }
0xf: {  	[smem:$0x3FB1] =	sst s7  }
0x10: {  	[smem:$0x3FB2] =	sst s8  }
0x11: {  	[smem:$0x3FB3] =	sst s9;
	s0 =	simm.s32 @!p0 $0x0  }
0x12: {  	s1 =	sld [smem:$0x3F99];
	s0 =	simm.s32 @p0 $0x1  }
0x13: {  	[smem:$0x3FB4] =	sst s0;
	s0 =	simm.s32 @!p1 $0x0  }
0x14: {  	s2 =	sld [smem:$0x3F98];
	s0 =	simm.s32 @p1 $0x1  }
0x15: {  	[smem:$0x3FB5] =	sst s0;
	s0 =	simm.s32 @!p2 $0x0  }
0x16: {  	s3 =	sld [smem:$0x3FDB];
	s0 =	simm.s32 @p2 $0x1  }
0x17: {  	s4 =	simm.s32 $0x1BF5;
	[smem:$0x3FB7] =	sst s0  }
0x18: {  	s0 =	sld [smem:$0x3F9A];
	_ =	swait.ge [sflag:s4], $0x0  }
0x19: {  	s7 =	sld [smem:$0x3F9B]  }
0x1a: {  	s8 =	sadd.s32 $0xFFFFE003, lr  }
0x1b: {  	s9 =	sadd.s32 $0xFFFFFEF7, lr;
	s5 =	simm.s32 $0xFFFFFFFF;
	p2 =	slt.u32 s8, $0xFFFFF086  }
0x1c: {  	p1 =	slt.u32 s9, $0xF7A;
	s5 =	simm.s32 @!p2 $0x0  }
0x1d: {  	s5 =	simm.s32 @p1 $0x1;
	p0 =	seq.s32 s7, s2  }
0x1e: {  	s7 =	smul.u32 @!p0 $0xF7A, s2;
	p2 =	seq.s32 @!p0 s5, $0x0  }
0x1f: {  	s9 =	smul.u32 $0xF7A, s1;
	s8 =	simm.s32 @!p0 $0x1BF5;
	p2 =	por !p2, p0  }
0x20: {  	[sflag:s8] =	ssyncset.s32 @!p0 $0xFFFFF086;
	s6 =	sadd.s32 @!p0 s3, s7;
	s7 =	simm.s32 @!p0 $0x108  }
0x21: {  	s3 =	sadd.s32 s3, s9;
	s6 =	sadd.s32 @!p0 $0x88, s6;
	s7 =	simm.s32 @p2 $0x1082  }
0x22: {  	[simem:s7], [sflag:s8] =	dma.local @!p0 [hbm:s6], $0xF7A  }
0x23: {  	s9 =	sor.u32 $0xD0000000, s2;
	s6 =	simm.s32 $0x108;
	_ =	swait.ge @!p0 [sflag:s8], $0x0  }
0x24: {  	s3 =	sadd.s32 $0x88, s3;
	s6 =	simm.s32 @!p1 $0x1082;
	[sflag:s4] =	ssyncset.s32 $0xFFFFF086  }
0x25: {  	[simem:s6], [sflag:s4] =	dma.local [hbm:s3], $0xF7A  }
0x26: {  	[smem:$0x3F9B] =	sst s1;
	(tag) =	ssettag s2;
	_ =	strace s9  }
0x27: {  	s1 =	sld [smem:$0x3FAB]  }
0x28: {  	s2 =	sld [smem:$0x3FAC]  }
0x29: {  	s4 =	sld [smem:$0x3FAE]  }
0x2a: {  	p0 =	seq.s32 s5, $0x0;
	s5 =	sld [smem:$0x3FAF]  }
0x2b: {  	s6 =	sld [smem:$0x3FB0]  }
0x2c: {  	s7 =	sld [smem:$0x3FB1]  }
0x2d: {  	s3 =	simm.s32 $0x108;
	s8 =	sld [smem:$0x3FB2]  }
0x2e: {  	s3 =	simm.s32 @!p0 $0x1082;
	s9 =	sld [smem:$0x3FB3]  }
0x2f: {  	lr =	sadd.s32 s0, s3;
	s0 =	sld [smem:$0x3FAA]  }
0x30: {  	s3 =	sld [smem:$0x3FAD]  }
0x31: {  	[smem:$0x3FB6] =	sst s10  }
0x32: {  	s10 =	sld [smem:$0x3FB4];
	_ =	sdelay $0x3  }
0x33: {  	p0 =	seq.s32 s10, $0x1;
	s10 =	sld [smem:$0x3FB6];
	_ =	sdelay $0x3  }
0x34: {  	[smem:$0x3FB6] =	sst s10  }
0x35: {  	s10 =	sld [smem:$0x3FB5];
	_ =	sdelay $0x3  }
0x36: {  	p1 =	seq.s32 s10, $0x1;
	s10 =	sld [smem:$0x3FB6];
	_ =	sdelay $0x3  }
0x37: {  	[smem:$0x3FB6] =	sst s10  }
0x38: {  	s10 =	sld [smem:$0x3FB7]  }
0x39: {  	_ = 	snop;
	(pc) =	sbr.ind lr, $3  }
0x3a: {  	_ = 	snop  }
0x3b: {  	_ = 	snop  }
0x3c: {  	p2 =	seq.s32 s10, $0x1;
	s10 =	sld [smem:$0x3FB6]  }
0x3d: {  	_ =	shalt  }
0x3e: {  	_ =	shalt  }
0x3f: {  	_ =	shalt  }
0x40: {  	_ =	shalt  }
0x41: {  	_ =	shalt  }
0x42: {  	_ =	shalt  }
0x43: {  	_ =	shalt  }
0x44: {  	_ =	shalt  }
0x45: {  	_ =	shalt  }
0x46: {  	_ =	shalt  }
0x47: {  	_ =	shalt  }
0x48: {  	_ =	shalt  }
0x49: {  	_ =	shalt  }
0x4a: {  	_ =	shalt  }
0x4b: {  	_ =	shalt  }
0x4c: {  	_ =	shalt  }
0x4d: {  	_ =	shalt  }
0x4e: {  	_ =	shalt  }
0x4f: {  	_ =	shalt  }
0x50: {  	_ =	shalt  }
0x51: {  	_ =	shalt  }
0x52: {  	_ =	shalt  }
0x53: {  	_ =	shalt  }
0x54: {  	_ =	shalt  }
0x55: {  	_ =	shalt  }
0x56: {  	_ =	shalt  }
0x57: {  	_ =	shalt  }
0x58: {  	_ =	shalt  }
0x59: {  	_ =	shalt  }
0x5a: {  	_ =	shalt  }
0x5b: {  	_ =	shalt  }
0x5c: {  	_ =	shalt  }
0x5d: {  	_ =	shalt  }
0x5e: {  	_ =	shalt  }
0x5f: {  	_ =	shalt  }
0x60: {  	_ =	shalt  }
0x61: {  	_ =	shalt  }
0x62: {  	_ =	shalt  }
0x63: {  	_ =	shalt  }
0x64: {  	_ =	shalt  }
0x65: {  	_ =	shalt  }
0x66: {  	_ =	shalt  }
0x67: {  	_ =	shalt  }
0x68: {  	_ =	shalt  }
0x69: {  	_ =	shalt  }
0x6a: {  	_ =	shalt  }
0x6b: {  	_ =	shalt  }
0x6c: {  	_ =	shalt  }
0x6d: {  	_ =	shalt  }
0x6e: {  	_ =	shalt  }
0x6f: {  	_ =	shalt  }
0x70: {  	_ =	shalt  }
0x71: {  	_ =	shalt  }
0x72: {  	_ =	shalt  }
0x73: {  	_ =	shalt  }
0x74: {  	_ =	shalt  }
0x75: {  	_ =	shalt  }
0x76: {  	_ =	shalt  }
0x77: {  	_ =	shalt  }
0x78: {  	_ =	shalt  }
0x79: {  	_ =	shalt  }
0x7a: {  	_ =	shalt  }
0x7b: {  	_ =	shalt  }
0x7c: {  	_ =	shalt  }
0x7d: {  	_ =	shalt  }
0x7e: {  	_ =	shalt  }
0x7f: {  	_ =	shalt  }
0x80: {  	_ =	shalt  }
0x81: {  	_ =	shalt  }
0x82: {  	_ =	shalt  }
0x83: {  	_ =	shalt  }
0x84: {  	_ =	shalt  }
0x85: {  	_ =	shalt  }
0x86: {  	_ =	shalt  }
0x87: {  	_ =	shalt  }
.Lfunc_end0:
.L_simem_size_0:
called_computation.2_lowered:
.L_overlay_start_0:
0x88: {  	s2 =	sld [smem:$0x3FD9]  }
0x89: {  	s3 =	sld [smem:$0x3FFE];
	_ =	sdelay $0x1  }
0x8a: {  	s1 =	srdreg.scid  }
0x8b: {  	s0 =	sand.u32 $0x1, s1  }
0x8c: {  	s16 =	sshll.u32 s0, $0xA;
	s2 =	sadd.s32 s3, s2  }
0x8d: {  	s2 =	sadd.s32 s2, s16  }
0x8e: {  	[smem:$0x3FC2] =	sst s2  }
0x8f: {  	_ = 	snop  }
0x90: {  	(tm) =	ssettm $0x1  }
0x91: {  	s17 =	sld [smem:$0x3FFB];
	_ =	sdelay $0x3  }
0x92: {  	_ =	strace s17  }
0x93: {  	s2 =	sld [smem:$0x3FFC];
	_ =	sdelay $0x3  }
0x94: {  	_ =	strace s2  }
0x95: {  	s2 =	sld [smem:$0x3FFD];
	_ =	sdelay $0x3  }
0x96: {  	_ =	strace s2  }
0x97: {  	_ =	strace $0x8FFFFFFF  }
0x98: {  	s18 =	sld [smem:$0x3FDB];
	_ =	sdelay $0x1  }
0x99: {  	s19 =	simm.s32 $_scs_section_size  }
0x9a: {  	s4 =	simm.s32 $_size__tile_overlayer_lowered;
	s5 =	simm.s32 $_tile_overlayer_lowered  }
0x9b: {  	s22 =	simm.s32 $0x1BFF;
	s21 =	sshll.u32 s5, $0x1;
	s2 =	sadd.s32 s19, s18  }
0x9c: {  	s6 =	simm.s32 $0x0;
	s20 =	sshll.u32 s4, $0x1;
	s4 =	sadd.s32 s21, s2  }
0x9d: {  	[timem:s6], [sflag:s22] =	dma.local [hbm:s4], s20  }
0x9e: {  	_ =	swait.ge [sflag:s22], s20  }
0x9f: {  	s3 =	ssub.s32 $0x0, s20;
	[sflag:s22] =	ssyncset.done $0x0  }
0xa0: {  	[sflag:s22] =	ssyncadd.s32 s3;
	_ =	sdelay $0x1  }
0xa1: {  	s23 =	simm.s32 $0x1B8B  }
0xa2: {  	_ =	swait.ge [sflag:s23], $0x1  }
0xa3: {  	[sflag:s23] =	ssyncset.done $0x0  }
0xa4: {  	s25 =	simm.s32 $0x1B8E;
	s24 =	sld [smem:$0x3FFE];
	[sflag:s23] =	ssyncadd.s32 $0xFFFFFFFF  }
0xa5: {  	s26 =	simm.s32 $execute0_lowered;
	[smem:$0x3FD2] =	sst s25  }
0xa6: {  	s4 =	sshll.u32 s26, $0x1;
	_ =	strace $0x8000004C;
	[dreg:$0x1] =	wrdreg $0xFFFFFFFF  }
0xa7: {  	s28 =	simm.s32 $_size_execute0_lowered;
	s2 =	sadd.s32 s2, s4;
	[dreg:$0x0] =	wrdreg $0x0  }
0xa8: {  	s4 =	sshll.u32 s28, $0x1;
	[dreg:$0x2] =	wrdreg s2  }
0xa9: {  	[dreg:$0x3] =	wrdreg s4  }
0xaa: {  	[dreg:$0x4] =	wrdreg $0xC0  }
0xab: {  	_ =	task [dreg:s6], $0x5FFFF  }
0xac: {  	[dreg:$0x1] =	wrdreg $0xFFFFFFFF  }
0xad: {  	[dreg:$0x0] =	wrdreg $0x60  }
0xae: {  	[dreg:$0x2] =	wrdreg s24  }
0xaf: {  	[dreg:$0x3] =	wrdreg $0x90000  }
0xb0: {  	[dreg:$0x4] =	wrdreg $0x9  }
0xb1: {  	_ =	task.clear_ibuf [dreg:s6], $0x5FFFF;
	_ =	strace $0x9000004C  }
0xb2: {  	s29 =	simm.s32 $0x9;
	_ =	strace $0x8000004E  }
0xb3: {  	_ =	swait.ge [sflag:s29], $0x1  }
0xb4: {  	[sflag:s29] =	ssyncadd.s32 $0xFFFFFFFF  }
0xb5: {  	_ =	strace $0x9000004E  }
0xb6: {  	_ =	sfence  }
0xb7: {  	s30 =	sld [smem:$0x0];
	_ =	sdelay $0x2  }
0xb8: {  	s31 =	sshll.u32 s1, $0xD;
	s1 =	sshrl.u32 s1, $0x2  }
0xb9: {  	s3 =	sand.u32 $0x4000, s31;
	s1 =	sadd.s32 s1, s30  }
0xba: {  	s0 =	sor.u32 s3, s0;
	s1 =	sshll.u32 s1, $0x11  }
0xbb: {  	s0 =	sor.u32 s1, s0  }
0xbc: {  	s0 =	sadd.s32 $0x8F2B, s0  }
0xbd: {  	[sflag:s0] =	ssyncadd.remote.s32 $0x1  }
0xbe: {  	_ =	sfence.sel $0xFFFF  }
0xbf: {  	[dreg:$0x0] =	wrdreg $0xFFFFFFFF;
	(pc) =	sbr.abs _section_cstart, $3  }
0xc0: {  	[dreg:$0x1] =	wrdreg $0xFFFFFFFF  }
0xc1: {  	_ =	task.clear_ibuf [dreg:s6], $0x2FFFF;
	_ =	strace $0x9FFFFFFF  }
0xc2: {  	(tm) =	ssettm $0x7FFFFFFF  }
0xc3: {  	_ =	shalt  }
tec
execute0_lowered:
.L_overlay_start_1:
0x0: {  	(tag) =	ssettag $0x1  }
0x1: {  	s0 =	srdreg.scid;
	s6 =	rddreg [dreg:$0x0]  }
0x2: {  	s2 =	rddreg [dreg:$0x1];
	s3 =	simm.s32 $0x0;
	s14 =	simm.s32 $0x80  }
0x3: {  	s15 =	simm.s32 $0x5000;
	s5 =	sand.u32 $0x1, s0;
	s0 =	stileid.u32  }
0x4: {  	s16 =	simm.s32 $0x0;
	[smem:$0x7FF] =	sst s3;
	s8 =	smul.u32 $0x13C000, s5  }
0x5: {  	s4 =	sadd.s32 $0x18E00, s6;
	s1 =	sshll.u32 s5, $0x4;
	s9 =	smul.u32 $0x13C00, s0  }
0x6: {  	s26 =	ssub.s32 $0x2, s5;
	s28 =	smul.u32 $0x4F000, s0;
	s5 =	sadd.s32 $0x16600, s6  }
0x7: {  	s31 =	sshll.u32 s0, $0x6;
	s1 =	sor.u32 s0, s1;
	s29 =	sshrl.u32 s26, $0x1  }
0x8: {  	s7 =	smul.u32 $0x500, s1;
	s1 =	rddreg [dreg:$0x2];
	_ =	strace $0x8000004D  }
0x9: {  	s25 =	sadd.s32 s9, s8;
	s12 =	ssub.s32 s26, s29;
	s30 =	sshrl.u32 s28, $0x2  }
0xa: {  	s13 =	sadd.s32 s30, s2;
	s10 =	sadd.s32 s7, s6;
	s7 =	sshrl.u32 s25, $0x3  }
0xb: {  	s11 =	sadd.s32 s7, s6;
	s6 =	sor.u32 $0x1C01, s31;
	s7 =	sadd.s32 $0x2600, s10  }
0xc: {  	s8 =	sadd.s32 $0xC600, s10;
	s10 =	smax.u32 s12, $0x1;
	s12 =	simm.s32 $0x1  }
0xd: {  	s9 =	sadd.s32 $0x40600, s11;
	s11 =	sshrl.u32 s13, $0x3;
	s13 =	simm.s32 $0x2800  }
.LBB2_1:
0xe: {  	[spmem:s11], [sflag:s6] =	dma.local [hbm:s5], $0x2780  }
0xf: {  	_ =	swait.ge [sflag:s12], $0x2780  }
0x10: {  	[sflag:s12] =	ssyncset.done $0x0  }
0x11: {  	[sflag:s12] =	ssyncadd.s32 $0xFFFFD880  }
0x12: {  	[bflag:$0x0] =	sbarrier.arrive $0xFFFF  }
0x13: {  	[tilespmem:s3], [sflag:$0x1] =	stream.linear.gather [hbm4b:s7+s3], $0x2800, $0x38;
	[tilespmem:$0x1CC00] =	vst v63  }
0x14: {  	_ =	swait.ge [sflag:s12], $0x2800  }
0x15: {  	[sflag:s12] =	ssyncset.done $0x0  }
0x16: {  	[sflag:s12] =	ssyncadd.s32 $0xFFFFD800  }
0x17: {  	[tilespmem:s13], [sflag:$0x1] =	stream.linear.gather [hbm4b:s8+s3], $0x2800, $0x38;
	[tilespmem:$0x1CC00] =	vst v63  }
0x18: {  	_ =	swait.ge [sflag:s12], $0x2800  }
0x19: {  	[sflag:s12] =	ssyncset.done $0x0  }
0x1a: {  	s17 =	simm.s32 $0x0;
	[sflag:s12] =	ssyncadd.s32 $0xFFFFD800  }
0x1b: {  	[tilespmem:s15], [sflag:$0x1] =	stream.indirect.gather [hbm4b:s4+s14], $0x80, s17, s14, $0xb8;
	[tilespmem:$0x1CC00] =	vst v63  }
0x1c: {  	_ =	swait.ge [sflag:s12], $0x4000  }
0x1d: {  	[sflag:s12] =	ssyncset.done $0x0  }
0x1e: {  	s31 =	simm.s32 $0x2800;
	[sflag:s12] =	ssyncadd.s32 $0xFFFFC000  }
0x1f: {  	[spmem:s2] =	stream.indirect.scatter.add.f32 [tilespmem:s15], [sflag:$0x1], $0x80, s31, s14, $0xb8;
	[tilespmem:$0x1CC00] =	vst v63  }
0x20: {  	_ =	swait.ge [sflag:s12], $0x4000  }
0x21: {  	s18 =	simm.s32 $0x400;
	s17 =	simm.s32 $0x200;
	[sflag:s12] =	ssyncset.done $0x0  }
.LBB2_2:
0x22: {  	s19 =	sshra.s32 s17, $0x2  }
0x23: {  	[sflag:s12] =	ssyncadd.s32 $0xFFFFC000;
	s17 =	smov.u32 s18;
	s20 =	sadd.s32 $0x200, s18  }
0x24: {  	[tilespmem:s15], [sflag:$0x1] =	stream.indirect.gather [hbm4b:s4+s14], $0x80, s19, s14, $0xb8;
	[tilespmem:$0x1CC00] =	vst v63  }
0x25: {  	p0 =	sne.s32 s18, $0x9E00;
	_ =	swait.ge [sflag:s12], $0x4000  }
.Ltmp0:
0x26: {  	[sflag:s12] =	ssyncset.done $0x0;
	(pc) =	sbr.rel @p0 .LBB2_2-.Ltmp0, $4  }
0x27: {  	s18 =	sadd.s32 $0x2800, s19;
	[sflag:s12] =	ssyncadd.s32 $0xFFFFC000  }
0x28: {  	[spmem:s2] =	stream.indirect.scatter.add.f32 [tilespmem:s15], [sflag:$0x1], $0x80, s18, s14, $0xb8;
	[tilespmem:$0x1CC00] =	vst v63  }
0x29: {  	_ =	swait.ge [sflag:s12], $0x4000  }
0x2a: {  	s18 =	smov.u32 s20;
	[sflag:s12] =	ssyncset.done $0x0  }
0x2b: {  	s17 =	sshra.s32 s17, $0x2;
	[sflag:s12] =	ssyncadd.s32 $0xFFFFC000  }
0x2c: {  	[tilespmem:s15], [sflag:$0x1] =	stream.indirect.gather [hbm4b:s4+s14], $0x80, s17, s14, $0xb8;
	[tilespmem:$0x1CC00] =	vst v63  }
0x2d: {  	_ =	swait.ge [sflag:s12], $0x4000  }
0x2e: {  	[sflag:s12] =	ssyncset.done $0x0  }
0x2f: {  	s17 =	sadd.s32 $0x2800, s17;
	[sflag:s12] =	ssyncadd.s32 $0xFFFFC000  }
0x30: {  	[spmem:s2] =	stream.indirect.scatter.add.f32 [tilespmem:s15], [sflag:$0x1], $0x80, s17, s14, $0xb8;
	[tilespmem:$0x1CC00] =	vst v63  }
0x31: {  	_ =	swait.ge [sflag:s12], $0x4000  }
0x32: {  	s16 =	sadd.s32 $0x1, s16;
	[sflag:s12] =	ssyncset.done $0x0  }
0x33: {  	p0 =	sne.s32 s16, s10;
	[sflag:s12] =	ssyncadd.s32 $0xFFFFC000  }
.Ltmp1:
0x34: {  	[bflag:$0x0] =	sbarrier.arrive $0xFFFF;
	(pc) =	sbr.rel @p0 .LBB2_1-.Ltmp1, $4  }
0x35: {  	[hbm:s9], [sflag:s6] =	dma.local [spmem:s11], $0x2780  }
0x36: {  	_ =	swait.ge [sflag:s12], $0x2780  }
0x37: {  	[sflag:s12] =	ssyncset.done $0x0  }
0x38: {  	[sflag:s12] =	ssyncadd.s32 $0xFFFFD880  }
0x39: {  	_ =	sfence.sel $0x180000  }
0x3a: {  	[bflag:$0x0] =	sbarrier.arrive $0xFFFF  }
0x3b: {  	p0 =	sne.s32 s0, $0x0;
	_ =	strace $0x9000004D  }
0x3c: {  	s0 =	sadd.s32 @!p0 $0x100000, s1;
	[bflag:$0x2] =	sbarrier.arrive $0xFFFF  }
0x3d: {  	[sflag:s0] =	ssyncadd.tile.s32 @!p0 $0x1;
	_ =	shalt  }
.Lfunc_end2:
_tile_overlayer_lowered:
.L_overlay_start_2:
0x3e: {  	(tag) =	ssettag $0x2  }
0x3f: {  	s0 =	rddreg [dreg:$0x0];
	s2 =	stileid.u32  }
0x40: {  	s1 =	rddreg [dreg:$0x1];
	p0 =	sne.s32 s2, $0x0  }
0x41: {  	s3 =	rddreg [dreg:$0x2];
	[bflag:$0x3] =	sbarrier.arrive $0xFFFF;
	s2 =	simm.s32 @!p0 $0x1C01  }
0x42: {  	[timem:s3], [sflag:s2] =	dma.local @!p0 [hbm:s0], s1  }
0x43: {  	s0 =	simm.s32 @!p0 $0x1  }
0x44: {  	_ =	swait.ge @!p0 [sflag:s0], s1  }
0x45: {  	s1 =	ssub.s32 @!p0 $0x0, s1;
	[sflag:s0] =	ssyncset.done @!p0 $0x0  }
0x46: {  	[sflag:s0] =	ssyncadd.s32 @!p0 s1  }
0x47: {  	[bflag:$0x3] =	sbarrier.arrive $0xFFFF  }
0x48: {  	_ =	shalt  }

// kernel: kernel.8.cloned.1.call-start
scs
__scs_entry_jumppad:
0x0: {  	(pc) =	sbr.rel $0x88, $3  }
0x1: {  	(tag) =	ssettag $0x0;
	lr =	simm.s32 $0x1  }
0x2: {  	[smem:$0x3F9B] =	sst lr;
	_ =	strace $0xD0000000  }
0x3: {  	_ = 	snop  }
0x4: {  	_ = 	snop  }
0x5: {  	_ = 	snop  }
0x6: {  	_ = 	snop  }
0x7: {  	_ = 	snop  }
__scs_overlays_trampoline_lowered:
0x8: {  	[smem:$0x3FAA] =	sst s0  }
0x9: {  	[smem:$0x3FAB] =	sst s1  }
0xa: {  	[smem:$0x3FAC] =	sst s2  }
0xb: {  	[smem:$0x3FAD] =	sst s3  }
0xc: {  	[smem:$0x3FAE] =	sst s4  }
0xd: {  	[smem:$0x3FAF] =	sst s5  }
0xe: {  	[smem:$0x3FB0] =	sst s6  }
0xf: {  	[smem:$0x3FB1] =	sst s7  }
0x10: {  	[smem:$0x3FB2] =	sst s8  }
0x11: {  	[smem:$0x3FB3] =	sst s9;
	s0 =	simm.s32 @!p0 $0x0  }
0x12: {  	s1 =	sld [smem:$0x3F99];
	s0 =	simm.s32 @p0 $0x1  }
0x13: {  	[smem:$0x3FB4] =	sst s0;
	s0 =	simm.s32 @!p1 $0x0  }
0x14: {  	s2 =	sld [smem:$0x3F98];
	s0 =	simm.s32 @p1 $0x1  }
0x15: {  	[smem:$0x3FB5] =	sst s0;
	s0 =	simm.s32 @!p2 $0x0  }
0x16: {  	s3 =	sld [smem:$0x3FDB];
	s0 =	simm.s32 @p2 $0x1  }
0x17: {  	s4 =	simm.s32 $0x1BF5;
	[smem:$0x3FB7] =	sst s0  }
0x18: {  	s0 =	sld [smem:$0x3F9A];
	_ =	swait.ge [sflag:s4], $0x0  }
0x19: {  	s7 =	sld [smem:$0x3F9B]  }
0x1a: {  	s8 =	sadd.s32 $0xFFFFE003, lr  }
0x1b: {  	s9 =	sadd.s32 $0xFFFFFEF7, lr;
	s5 =	simm.s32 $0xFFFFFFFF;
	p2 =	slt.u32 s8, $0xFFFFF086  }
0x1c: {  	p1 =	slt.u32 s9, $0xF7A;
	s5 =	simm.s32 @!p2 $0x0  }
0x1d: {  	s5 =	simm.s32 @p1 $0x1;
	p0 =	seq.s32 s7, s2  }
0x1e: {  	s7 =	smul.u32 @!p0 $0xF7A, s2;
	p2 =	seq.s32 @!p0 s5, $0x0  }
0x1f: {  	s9 =	smul.u32 $0xF7A, s1;
	s8 =	simm.s32 @!p0 $0x1BF5;
	p2 =	por !p2, p0  }
0x20: {  	[sflag:s8] =	ssyncset.s32 @!p0 $0xFFFFF086;
	s6 =	sadd.s32 @!p0 s3, s7;
	s7 =	simm.s32 @!p0 $0x108  }
0x21: {  	s3 =	sadd.s32 s3, s9;
	s6 =	sadd.s32 @!p0 $0x88, s6;
	s7 =	simm.s32 @p2 $0x1082  }
0x22: {  	[simem:s7], [sflag:s8] =	dma.local @!p0 [hbm:s6], $0xF7A  }
0x23: {  	s9 =	sor.u32 $0xD0000000, s2;
	s6 =	simm.s32 $0x108;
	_ =	swait.ge @!p0 [sflag:s8], $0x0  }
0x24: {  	s3 =	sadd.s32 $0x88, s3;
	s6 =	simm.s32 @!p1 $0x1082;
	[sflag:s4] =	ssyncset.s32 $0xFFFFF086  }
0x25: {  	[simem:s6], [sflag:s4] =	dma.local [hbm:s3], $0xF7A  }
0x26: {  	[smem:$0x3F9B] =	sst s1;
	(tag) =	ssettag s2;
	_ =	strace s9  }
0x27: {  	s1 =	sld [smem:$0x3FAB]  }
0x28: {  	s2 =	sld [smem:$0x3FAC]  }
0x29: {  	s4 =	sld [smem:$0x3FAE]  }
0x2a: {  	p0 =	seq.s32 s5, $0x0;
	s5 =	sld [smem:$0x3FAF]  }
0x2b: {  	s6 =	sld [smem:$0x3FB0]  }
0x2c: {  	s7 =	sld [smem:$0x3FB1]  }
0x2d: {  	s3 =	simm.s32 $0x108;
	s8 =	sld [smem:$0x3FB2]  }
0x2e: {  	s3 =	simm.s32 @!p0 $0x1082;
	s9 =	sld [smem:$0x3FB3]  }
0x2f: {  	lr =	sadd.s32 s0, s3;
	s0 =	sld [smem:$0x3FAA]  }
0x30: {  	s3 =	sld [smem:$0x3FAD]  }
0x31: {  	[smem:$0x3FB6] =	sst s10  }
0x32: {  	s10 =	sld [smem:$0x3FB4];
	_ =	sdelay $0x3  }
0x33: {  	p0 =	seq.s32 s10, $0x1;
	s10 =	sld [smem:$0x3FB6];
	_ =	sdelay $0x3  }
0x34: {  	[smem:$0x3FB6] =	sst s10  }
0x35: {  	s10 =	sld [smem:$0x3FB5];
	_ =	sdelay $0x3  }
0x36: {  	p1 =	seq.s32 s10, $0x1;
	s10 =	sld [smem:$0x3FB6];
	_ =	sdelay $0x3  }
0x37: {  	[smem:$0x3FB6] =	sst s10  }
0x38: {  	s10 =	sld [smem:$0x3FB7]  }
0x39: {  	_ = 	snop;
	(pc) =	sbr.ind lr, $3  }
0x3a: {  	_ = 	snop  }
0x3b: {  	_ = 	snop  }
0x3c: {  	p2 =	seq.s32 s10, $0x1;
	s10 =	sld [smem:$0x3FB6]  }
0x3d: {  	_ =	shalt  }
0x3e: {  	_ =	shalt  }
0x3f: {  	_ =	shalt  }
0x40: {  	_ =	shalt  }
0x41: {  	_ =	shalt  }
0x42: {  	_ =	shalt  }
0x43: {  	_ =	shalt  }
0x44: {  	_ =	shalt  }
0x45: {  	_ =	shalt  }
0x46: {  	_ =	shalt  }
0x47: {  	_ =	shalt  }
0x48: {  	_ =	shalt  }
0x49: {  	_ =	shalt  }
0x4a: {  	_ =	shalt  }
0x4b: {  	_ =	shalt  }
0x4c: {  	_ =	shalt  }
0x4d: {  	_ =	shalt  }
0x4e: {  	_ =	shalt  }
0x4f: {  	_ =	shalt  }
0x50: {  	_ =	shalt  }
0x51: {  	_ =	shalt  }
0x52: {  	_ =	shalt  }
0x53: {  	_ =	shalt  }
0x54: {  	_ =	shalt  }
0x55: {  	_ =	shalt  }
0x56: {  	_ =	shalt  }
0x57: {  	_ =	shalt  }
0x58: {  	_ =	shalt  }
0x59: {  	_ =	shalt  }
0x5a: {  	_ =	shalt  }
0x5b: {  	_ =	shalt  }
0x5c: {  	_ =	shalt  }
0x5d: {  	_ =	shalt  }
0x5e: {  	_ =	shalt  }
0x5f: {  	_ =	shalt  }
0x60: {  	_ =	shalt  }
0x61: {  	_ =	shalt  }
0x62: {  	_ =	shalt  }
0x63: {  	_ =	shalt  }
0x64: {  	_ =	shalt  }
0x65: {  	_ =	shalt  }
0x66: {  	_ =	shalt  }
0x67: {  	_ =	shalt  }
0x68: {  	_ =	shalt  }
0x69: {  	_ =	shalt  }
0x6a: {  	_ =	shalt  }
0x6b: {  	_ =	shalt  }
0x6c: {  	_ =	shalt  }
0x6d: {  	_ =	shalt  }
0x6e: {  	_ =	shalt  }
0x6f: {  	_ =	shalt  }
0x70: {  	_ =	shalt  }
0x71: {  	_ =	shalt  }
0x72: {  	_ =	shalt  }
0x73: {  	_ =	shalt  }
0x74: {  	_ =	shalt  }
0x75: {  	_ =	shalt  }
0x76: {  	_ =	shalt  }
0x77: {  	_ =	shalt  }
0x78: {  	_ =	shalt  }
0x79: {  	_ =	shalt  }
0x7a: {  	_ =	shalt  }
0x7b: {  	_ =	shalt  }
0x7c: {  	_ =	shalt  }
0x7d: {  	_ =	shalt  }
0x7e: {  	_ =	shalt  }
0x7f: {  	_ =	shalt  }
0x80: {  	_ =	shalt  }
0x81: {  	_ =	shalt  }
0x82: {  	_ =	shalt  }
0x83: {  	_ =	shalt  }
0x84: {  	_ =	shalt  }
0x85: {  	_ =	shalt  }
0x86: {  	_ =	shalt  }
0x87: {  	_ =	shalt  }
.Lfunc_end0:
.L_simem_size_0:
called_computation_lowered:
.L_overlay_start_0:
0x88: {  	s2 =	sld [smem:$0x3FD9]  }
0x89: {  	s3 =	sld [smem:$0x3FFE];
	_ =	sdelay $0x1  }
0x8a: {  	s1 =	srdreg.scid  }
0x8b: {  	s0 =	sand.u32 $0x1, s1  }
0x8c: {  	s14 =	sshll.u32 s0, $0xA;
	s2 =	sadd.s32 s3, s2  }
0x8d: {  	s2 =	sadd.s32 s2, s14  }
0x8e: {  	[smem:$0x3FC2] =	sst s2  }
0x8f: {  	_ = 	snop  }
0x90: {  	s2 =	sld [smem:$0x3FD0];
	_ =	sdelay $0x2  }
0x91: {  	s15 =	simm.s32 $0xA;
	s4 =	simm.s32 $0x10  }
0x92: {  	[smem:s4], [sflag:s15] =	dma.local [hbm:s2], $0x1  }
0x93: {  	_ =	swait.eq [sflag:s15], $0x1  }
0x94: {  	[sflag:s15] =	ssyncset.done $0x0  }
0x95: {  	[sflag:s15] =	ssyncadd.s32 $0xFFFFFFFF  }
0x96: {  	s16 =	sld [smem:$0x10];
	(tm) =	ssettm $0x1  }
0x97: {  	s17 =	sld [smem:$0x3FFB];
	_ =	sdelay $0x3  }
0x98: {  	_ =	strace s17  }
0x99: {  	s3 =	sld [smem:$0x3FFC];
	_ =	sdelay $0x3  }
0x9a: {  	_ =	strace s3  }
0x9b: {  	s3 =	sld [smem:$0x3FFD];
	_ =	sdelay $0x3  }
0x9c: {  	_ =	strace s3  }
0x9d: {  	_ =	strace $0x8FFFFFFF  }
0x9e: {  	s18 =	sld [smem:$0x3FDB];
	_ =	sdelay $0x1  }
0x9f: {  	s19 =	simm.s32 $_scs_section_size  }
0xa0: {  	s5 =	simm.s32 $_size__tile_overlayer_lowered;
	s6 =	simm.s32 $_tile_overlayer_lowered  }
0xa1: {  	s22 =	simm.s32 $0x1BFF;
	s21 =	sshll.u32 s6, $0x1;
	s3 =	sadd.s32 s19, s18  }
0xa2: {  	s7 =	simm.s32 $0x0;
	s20 =	sshll.u32 s5, $0x1;
	s5 =	sadd.s32 s21, s3  }
0xa3: {  	[timem:s7], [sflag:s22] =	dma.local [hbm:s5], s20  }
0xa4: {  	_ =	swait.ge [sflag:s22], s20  }
0xa5: {  	s4 =	ssub.s32 $0x0, s20;
	[sflag:s22] =	ssyncset.done $0x0  }
0xa6: {  	[sflag:s22] =	ssyncadd.s32 s4;
	_ =	sdelay $0x1  }
0xa7: {  	s23 =	simm.s32 $0x1B8B  }
0xa8: {  	_ =	swait.ge [sflag:s23], $0x1  }
0xa9: {  	[sflag:s23] =	ssyncset.done $0x0  }
0xaa: {  	s25 =	simm.s32 $0x1B8E;
	s24 =	sld [smem:$0x3FFE];
	[sflag:s23] =	ssyncadd.s32 $0xFFFFFFFF  }
0xab: {  	s26 =	simm.s32 $execute0_lowered;
	[smem:$0x3FD2] =	sst s25  }
0xac: {  	s5 =	sshll.u32 s26, $0x1;
	_ =	strace $0x80000046;
	[dreg:$0x1] =	wrdreg $0xFFFFFFFF  }
0xad: {  	s28 =	simm.s32 $_size_execute0_lowered;
	s3 =	sadd.s32 s3, s5;
	[dreg:$0x0] =	wrdreg $0x0  }
0xae: {  	s5 =	sshll.u32 s28, $0x1;
	[dreg:$0x2] =	wrdreg s3  }
0xaf: {  	[dreg:$0x3] =	wrdreg s5  }
0xb0: {  	[dreg:$0x4] =	wrdreg $0xC0  }
0xb1: {  	_ =	task [dreg:s7], $0x5FFFF  }
0xb2: {  	[dreg:$0x1] =	wrdreg $0xFFFFFFFF  }
0xb3: {  	[dreg:$0x0] =	wrdreg $0x60  }
0xb4: {  	[dreg:$0x2] =	wrdreg s24  }
0xb5: {  	[dreg:$0x3] =	wrdreg s16  }
0xb6: {  	[dreg:$0x4] =	wrdreg $0x90000  }
0xb7: {  	[dreg:$0x5] =	wrdreg $0x9  }
0xb8: {  	_ =	task.clear_ibuf [dreg:s7], $0x6FFFF;
	_ =	strace $0x90000046  }
0xb9: {  	s29 =	simm.s32 $0x9;
	_ =	strace $0x80000048  }
0xba: {  	_ =	swait.ge [sflag:s29], $0x1  }
0xbb: {  	[sflag:s29] =	ssyncadd.s32 $0xFFFFFFFF  }
0xbc: {  	_ =	strace $0x90000048  }
0xbd: {  	_ =	sfence  }
0xbe: {  	s30 =	sld [smem:$0x0];
	_ =	sdelay $0x2  }
0xbf: {  	s31 =	sshll.u32 s1, $0xD;
	s1 =	sshrl.u32 s1, $0x2  }
0xc0: {  	s3 =	sand.u32 $0x4000, s31;
	s1 =	sadd.s32 s1, s30  }
0xc1: {  	s0 =	sor.u32 s3, s0;
	s1 =	sshll.u32 s1, $0x11  }
0xc2: {  	s0 =	sor.u32 s1, s0  }
0xc3: {  	s0 =	sadd.s32 $0x8F2B, s0  }
0xc4: {  	[sflag:s0] =	ssyncadd.remote.s32 $0x1  }
0xc5: {  	_ =	sfence.sel $0xFFFF  }
0xc6: {  	[dreg:$0x0] =	wrdreg $0xFFFFFFFF;
	(pc) =	sbr.abs _section_cstart, $3  }
0xc7: {  	[dreg:$0x1] =	wrdreg $0xFFFFFFFF  }
0xc8: {  	_ =	task.clear_ibuf [dreg:s7], $0x2FFFF;
	_ =	strace $0x9FFFFFFF  }
0xc9: {  	(tm) =	ssettm $0x7FFFFFFF  }
tec
execute0_lowered:
.L_overlay_start_1:
0x0: {  	(tag) =	ssettag $0x1  }
0x1: {  	s6 =	rddreg [dreg:$0x0]  }
0x2: {  	s0 =	srdreg.scid;
	s7 =	rddreg [dreg:$0x1]  }
0x3: {  	s2 =	rddreg [dreg:$0x2];
	s3 =	simm.s32 $0x0;
	s14 =	simm.s32 $0x80  }
0x4: {  	s15 =	simm.s32 $0x5000;
	s5 =	sand.u32 $0x1, s0;
	s0 =	stileid.u32  }
0x5: {  	s16 =	simm.s32 $0x0;
	[smem:$0x7FF] =	sst s3;
	s9 =	smul.u32 $0x13C000, s5  }
0x6: {  	s4 =	sadd.s32 $0x18E00, s6;
	s1 =	sshll.u32 s5, $0x4;
	s10 =	smul.u32 $0x13C00, s0  }
0x7: {  	s28 =	ssub.s32 $0x2, s5;
	s12 =	smul.u32 $0x4F000, s0;
	s5 =	sadd.s32 $0x16600, s6  }
0x8: {  	s31 =	sshll.u32 s0, $0x6;
	s1 =	sor.u32 s0, s1;
	s29 =	sshrl.u32 s28, $0x1  }
0x9: {  	s8 =	smul.u32 $0x500, s1;
	s1 =	rddreg [dreg:$0x3];
	_ =	strace $0x80000047  }
0xa: {  	s9 =	sadd.s32 s10, s9;
	s10 =	ssub.s32 s28, s29;
	s30 =	sshrl.u32 s12, $0x2  }
0xb: {  	s12 =	simm.s32 $0x1;
	s9 =	sshrl.u32 s9, $0x3;
	s13 =	sadd.s32 s30, s2  }
0xc: {  	s10 =	smax.u32 s10, $0x1;
	s11 =	sadd.s32 s8, s6;
	s9 =	sadd.s32 s9, s6  }
0xd: {  	s6 =	sor.u32 $0x1C01, s31;
	s7 =	sadd.s32 s7, s8;
	s8 =	sadd.s32 $0xC600, s11  }
0xe: {  	s9 =	sadd.s32 $0x40600, s9;
	s11 =	sshrl.u32 s13, $0x3;
	s13 =	simm.s32 $0x2800  }
.LBB2_1:
0xf: {  	[spmem:s11], [sflag:s6] =	dma.local [hbm:s5], $0x2780  }
0x10: {  	_ =	swait.ge [sflag:s12], $0x2780  }
0x11: {  	[sflag:s12] =	ssyncset.done $0x0  }
0x12: {  	[sflag:s12] =	ssyncadd.s32 $0xFFFFD880  }
0x13: {  	[bflag:$0x0] =	sbarrier.arrive $0xFFFF  }
0x14: {  	[tilespmem:s3], [sflag:$0x1] =	stream.linear.gather [hbm4b:s7+s3], $0x2800, $0x38;
	[tilespmem:$0x1CC00] =	vst v63  }
0x15: {  	_ =	swait.ge [sflag:s12], $0x2800  }
0x16: {  	[sflag:s12] =	ssyncset.done $0x0  }
0x17: {  	[sflag:s12] =	ssyncadd.s32 $0xFFFFD800  }
0x18: {  	[tilespmem:s13], [sflag:$0x1] =	stream.linear.gather [hbm4b:s8+s3], $0x2800, $0x38;
	[tilespmem:$0x1CC00] =	vst v63  }
0x19: {  	_ =	swait.ge [sflag:s12], $0x2800  }
0x1a: {  	[sflag:s12] =	ssyncset.done $0x0  }
0x1b: {  	s17 =	simm.s32 $0x0;
	[sflag:s12] =	ssyncadd.s32 $0xFFFFD800  }
0x1c: {  	[tilespmem:s15], [sflag:$0x1] =	stream.indirect.gather [hbm4b:s4+s14], $0x80, s17, s14, $0xb8;
	[tilespmem:$0x1CC00] =	vst v63  }
0x1d: {  	_ =	swait.ge [sflag:s12], $0x4000  }
0x1e: {  	[sflag:s12] =	ssyncset.done $0x0  }
0x1f: {  	s31 =	simm.s32 $0x2800;
	[sflag:s12] =	ssyncadd.s32 $0xFFFFC000  }
0x20: {  	[spmem:s2] =	stream.indirect.scatter.add.f32 [tilespmem:s15], [sflag:$0x1], $0x80, s31, s14, $0xb8;
	[tilespmem:$0x1CC00] =	vst v63  }
0x21: {  	_ =	swait.ge [sflag:s12], $0x4000  }
0x22: {  	s18 =	simm.s32 $0x400;
	s17 =	simm.s32 $0x200;
	[sflag:s12] =	ssyncset.done $0x0  }
.LBB2_2:
0x23: {  	s19 =	sshra.s32 s17, $0x2  }
0x24: {  	[sflag:s12] =	ssyncadd.s32 $0xFFFFC000;
	s17 =	smov.u32 s18;
	s20 =	sadd.s32 $0x200, s18  }
0x25: {  	[tilespmem:s15], [sflag:$0x1] =	stream.indirect.gather [hbm4b:s4+s14], $0x80, s19, s14, $0xb8;
	[tilespmem:$0x1CC00] =	vst v63  }
0x26: {  	p0 =	sne.s32 s18, $0x9E00;
	_ =	swait.ge [sflag:s12], $0x4000  }
.Ltmp0:
0x27: {  	[sflag:s12] =	ssyncset.done $0x0;
	(pc) =	sbr.rel @p0 .LBB2_2-.Ltmp0, $4  }
0x28: {  	s18 =	sadd.s32 $0x2800, s19;
	[sflag:s12] =	ssyncadd.s32 $0xFFFFC000  }
0x29: {  	[spmem:s2] =	stream.indirect.scatter.add.f32 [tilespmem:s15], [sflag:$0x1], $0x80, s18, s14, $0xb8;
	[tilespmem:$0x1CC00] =	vst v63  }
0x2a: {  	_ =	swait.ge [sflag:s12], $0x4000  }
0x2b: {  	s18 =	smov.u32 s20;
	[sflag:s12] =	ssyncset.done $0x0  }
0x2c: {  	s17 =	sshra.s32 s17, $0x2;
	[sflag:s12] =	ssyncadd.s32 $0xFFFFC000  }
0x2d: {  	[tilespmem:s15], [sflag:$0x1] =	stream.indirect.gather [hbm4b:s4+s14], $0x80, s17, s14, $0xb8;
	[tilespmem:$0x1CC00] =	vst v63  }
0x2e: {  	_ =	swait.ge [sflag:s12], $0x4000  }
0x2f: {  	[sflag:s12] =	ssyncset.done $0x0  }
0x30: {  	s17 =	sadd.s32 $0x2800, s17;
	[sflag:s12] =	ssyncadd.s32 $0xFFFFC000  }
0x31: {  	[spmem:s2] =	stream.indirect.scatter.add.f32 [tilespmem:s15], [sflag:$0x1], $0x80, s17, s14, $0xb8;
	[tilespmem:$0x1CC00] =	vst v63  }
0x32: {  	_ =	swait.ge [sflag:s12], $0x4000  }
0x33: {  	s16 =	sadd.s32 $0x1, s16;
	[sflag:s12] =	ssyncset.done $0x0  }
0x34: {  	p0 =	sne.s32 s16, s10;
	[sflag:s12] =	ssyncadd.s32 $0xFFFFC000  }
.Ltmp1:
0x35: {  	[bflag:$0x0] =	sbarrier.arrive $0xFFFF;
	(pc) =	sbr.rel @p0 .LBB2_1-.Ltmp1, $4  }
0x36: {  	[hbm:s9], [sflag:s6] =	dma.local [spmem:s11], $0x2780  }
0x37: {  	_ =	swait.ge [sflag:s12], $0x2780  }
0x38: {  	[sflag:s12] =	ssyncset.done $0x0  }
0x39: {  	[sflag:s12] =	ssyncadd.s32 $0xFFFFD880  }
0x3a: {  	_ =	sfence.sel $0x180000  }
0x3b: {  	[bflag:$0x0] =	sbarrier.arrive $0xFFFF  }
0x3c: {  	p0 =	sne.s32 s0, $0x0;
	_ =	strace $0x90000047  }
0x3d: {  	s0 =	sadd.s32 @!p0 $0x100000, s1;
	[bflag:$0x2] =	sbarrier.arrive $0xFFFF  }
0x3e: {  	[sflag:s0] =	ssyncadd.tile.s32 @!p0 $0x1;
	_ =	shalt  }
.Lfunc_end2:
_tile_overlayer_lowered:
.L_overlay_start_2:
0x3f: {  	(tag) =	ssettag $0x2  }
0x40: {  	s0 =	rddreg [dreg:$0x0];
	s2 =	stileid.u32  }
0x41: {  	s1 =	rddreg [dreg:$0x1];
	p0 =	sne.s32 s2, $0x0  }
0x42: {  	s3 =	rddreg [dreg:$0x2];
	[bflag:$0x3] =	sbarrier.arrive $0xFFFF;
	s2 =	simm.s32 @!p0 $0x1C01  }
0x43: {  	[timem:s3], [sflag:s2] =	dma.local @!p0 [hbm:s0], s1  }
0x44: {  	s0 =	simm.s32 @!p0 $0x1  }
0x45: {  	_ =	swait.ge @!p0 [sflag:s0], s1  }
0x46: {  	s1 =	ssub.s32 @!p0 $0x0, s1;
	[sflag:s0] =	ssyncset.done @!p0 $0x0  }
0x47: {  	[sflag:s0] =	ssyncadd.s32 @!p0 s1  }
0x48: {  	[bflag:$0x3] =	sbarrier.arrive $0xFFFF  }
0x49: {  	_ =	shalt  }

</sc_bundles>
